<compile_context>
chip_gen: v7x
topology: tpu7x:2x2x1
jax: 0.10.2.dev20260603
libtpu: 0.0.44.dev20260713+nightly
codegen_flags: <defaults>
</compile_context>

<pallas_src>
import functools

import jax
import jax.numpy as jnp
from jax import lax
from jax.experimental import pallas as pl
from jax.experimental.pallas import tpu as pltpu
from jax.experimental.pallas import tpu_sc as plsc

NC = 2
NS = 16
NW = NC * NS
L = 16
CH = 112
NB = 4
GD = 2


def _sc_mesh():
    return plsc.VectorSubcoreMesh(core_axis_name="c", subcore_axis_name="s",
                                  num_cores=NC, num_subcores=NS)


_SC_PARAMS = pltpu.CompilerParams(needs_layout_passes=False,
                                  use_tc_tiling_on_sc=False)


def _make_deg_kernel(N, NPAD, EPW):
    @functools.partial(
        pl.kernel,
        out_type=jax.ShapeDtypeStruct((NW, NPAD), jnp.float32),
        mesh=_sc_mesh(),
        compiler_params=_SC_PARAMS,
        scratch_types=[
            pltpu.VMEM((EPW,), jnp.int32),
            pltpu.VMEM((NPAD,), jnp.float32),
        ],
    )
    def deg_kernel(dst_hbm, out_hbm, idx_v, acc_v):
        cid = lax.axis_index("c")
        sid = lax.axis_index("s")
        w = cid * NS + sid
        pltpu.sync_copy(dst_hbm.at[w], idx_v)

        @pl.loop(0, NPAD // L, unroll=4)
        def _zero(i):
            acc_v[pl.ds(i * L, L)] = jnp.zeros((L,), jnp.float32)

        ones = jnp.ones((L,), jnp.float32)

        @pl.loop(0, EPW // L, unroll=4)
        def _accum(i):
            idx = idx_v[pl.ds(i * L, L)]
            plsc.addupdate_scatter(acc_v, [idx], ones)

        pltpu.sync_copy(acc_v, out_hbm.at[w])

    return deg_kernel


def _make_hop_kernel(N, NPAD, D, CPW):
    rpt = NPAD // NS

    @functools.partial(
        pl.kernel,
        out_type=jax.ShapeDtypeStruct((NC, NPAD, D), jnp.float32),
        mesh=_sc_mesh(),
        compiler_params=_SC_PARAMS,
        scratch_types=[
            pltpu.VMEM((CPW, CH), jnp.int32),
            pltpu.VMEM((CPW, CH), jnp.int32),
            [pltpu.VMEM((CH, D), jnp.float32) for _ in range(NB)],
            pltpu.VMEM_SHARED((NPAD, D), jnp.float32),
            pltpu.VMEM_SHARED((NPAD, D), jnp.float32),
            pltpu.SemaphoreType.DMA((NB,)),
            pltpu.SemaphoreType.DMA((NB,)),
        ],
    )
    def hop_kernel(y_hbm, src_hbm, dst_hbm, zeros_hbm, out_hbm,
                   src_v, dst_v, rbufs, y_sh, acc_sh, gsem, ssem):
        cid = lax.axis_index("c")
        sid = lax.axis_index("s")
        w = cid * NS + sid

        row0 = pl.multiple_of(sid * rpt, 8)
        pltpu.sync_copy(zeros_hbm.at[pl.ds(row0, rpt)],
                        acc_sh.at[pl.ds(row0, rpt)])
        pltpu.sync_copy(y_hbm.at[pl.ds(row0, rpt)],
                        y_sh.at[pl.ds(row0, rpt)])
        pltpu.sync_copy(src_hbm.at[w], src_v)
        pltpu.sync_copy(dst_hbm.at[w], dst_v)
        plsc.subcore_barrier()

        for b in range(GD):
            pltpu.async_copy(y_sh.at[src_v.at[b]], rbufs[b], gsem.at[b])

        @pl.loop(0, CPW // NB)
        def _chunks(i):
            for b in range(NB):
                k = i * NB + b
                bs = (b - (NB - GD)) % NB

                @pl.when(k >= NB - GD)
                def _():
                    ks = k - (NB - GD)
                    pltpu.make_async_copy(rbufs[bs], acc_sh.at[dst_v.at[ks]],
                                          ssem.at[bs]).wait()

                @pl.when(k + GD < CPW)
                def _():
                    bg = (b + GD) % NB
                    pltpu.async_copy(y_sh.at[src_v.at[k + GD]], rbufs[bg],
                                     gsem.at[bg])

                pltpu.make_async_copy(y_sh.at[src_v.at[k]], rbufs[b],
                                      gsem.at[b]).wait()
                pltpu.async_copy(rbufs[b], acc_sh.at[dst_v.at[k]], ssem.at[b],
                                 add=True)

        for j in range(CPW - (NB - GD), CPW):
            b = j % NB
            pltpu.make_async_copy(rbufs[b], acc_sh.at[dst_v.at[j]],
                                  ssem.at[b]).wait()

        plsc.subcore_barrier()
        pltpu.sync_copy(acc_sh.at[pl.ds(row0, rpt)],
                        out_hbm.at[cid, pl.ds(row0, rpt)])

    return hop_kernel


def _tc_a(x, W, degt, NPAD, BR):
    N, DIN = x.shape
    DOUT = W.shape[1]

    def body(x_ref, w_ref, d_ref, z_ref, n_ref):
        deg = jnp.sum(d_ref[...], axis=0, keepdims=True)
        deg = jnp.maximum(deg, 1.0)
        nrm = jnp.transpose(lax.rsqrt(deg))
        y = jnp.dot(x_ref[...], w_ref[...], preferred_element_type=jnp.float32)
        npad = n_ref.shape[0]
        ypad = jnp.pad(y, ((0, npad - y.shape[0]), (0, 0)))
        z_ref[...] = ypad * nrm
        n_ref[...] = nrm

    return pl.pallas_call(
        body,
        out_shape=[
            jax.ShapeDtypeStruct((NPAD, DOUT), jnp.float32),
            jax.ShapeDtypeStruct((NPAD, 1), jnp.float32),
        ],
    )(x, W, degt)


def _tc_combine(p, nrm, BR, power, relu, out_rows):
    _, NPAD, D = p.shape

    def body(p_ref, n_ref, o_ref):
        s = p_ref[0] + p_ref[1]
        n = n_ref[...]
        scale = n * n if power == 2 else n
        z = s * scale
        if relu:
            z = jnp.maximum(z, 0.0)
        o_ref[...] = z

    def body2(p_ref, n_ref, o_ref):
        s = p_ref[0, :out_rows] + p_ref[1, :out_rows]
        n = n_ref[:out_rows]
        scale = n * n if power == 2 else n
        z = s * scale
        if relu:
            z = jnp.maximum(z, 0.0)
        o_ref[...] = z

    return pl.pallas_call(
        body2,
        out_shape=jax.ShapeDtypeStruct((out_rows, D), jnp.float32),
    )(p, nrm)


def kernel(x, edge_index, W):
    N, DIN = x.shape
    DOUT = W.shape[1]
    E = edge_index.shape[1]
    NPAD = -(-(N + 1) // (8 * NS)) * (8 * NS)

    epw0 = -(-E // NW)
    CPW = -(-epw0 // CH)
    CPW = -(-CPW // NB) * NB
    EPW = CPW * CH
    EPAD = NW * EPW

    src = edge_index[0]
    dst = edge_index[1]
    pad = EPAD - E
    srcp = jnp.concatenate([src, jnp.zeros((pad,), jnp.int32)]).reshape(NW, CPW, CH)
    dstp = jnp.concatenate([dst, jnp.full((pad,), N, jnp.int32)]).reshape(NW, CPW, CH)
    dst_flat = dstp.reshape(NW, EPW)
    zeros = jnp.zeros((NPAD, DOUT), jnp.float32)

    degp = _make_deg_kernel(N, NPAD, EPW)(dst_flat)

    BR = NPAD // NS
    z0, nrm = _tc_a(x, W, degp, NPAD, BR)

    hop = _make_hop_kernel(N, NPAD, DOUT, CPW)
    p1 = hop(z0, srcp, dstp, zeros)
    z1 = _tc_combine(p1, nrm, BR, power=2, relu=False, out_rows=NPAD)
    p2 = hop(z1, srcp, dstp, zeros)
    return _tc_combine(p2, nrm, BR, power=1, relu=True, out_rows=N)

# --- scband reference (transcript-rebuilt; emitter-appended) ---
"""Pipeline reference for scband-sgc-35914516529298 (READ-ONLY COPY).

The authoritative reference and input builder live on the scoring server;
editing this copy changes nothing except your own understanding.
"""

import jax, jax.numpy as jnp
import numpy as np

N = 10000
E = 320000
D_IN = 128
D_OUT = 64
K = 2


def setup_inputs(seed: int = 0) -> dict:
    key = jax.random.key(seed)
    k1, k2, k3 = jax.random.split(key, 3)
    x = jax.random.normal(k1, (N, D_IN), dtype=jnp.float32)
    edge_index = jax.random.randint(k2, (2, E), 0, N, dtype=jnp.int32)
    # SGConv linear weight (bias=False), Linear(in_feature=128, out=64)
    W = jax.random.normal(k3, (D_IN, D_OUT), dtype=jnp.float32) * (1.0 / np.sqrt(D_IN))
    return {"x": x, "edge_index": edge_index, "W": W}


def reference(x, edge_index, W):
    # DGL SGConv with k=2, bias=False: feat = (D^-1/2 A D^-1/2)^k X, then Linear, then ReLU activation
    src = edge_index[0]
    dst = edge_index[1]
    deg = jnp.bincount(dst, length=N).astype(jnp.float32)
    deg = jnp.clip(deg, 1.0, None)
    norm = jnp.power(deg, -0.5)
    feat = x
    for _ in range(K):
        feat = feat * norm[:, None]
        msgs = jnp.take(feat, src, axis=0)
        agg = jax.ops.segment_sum(msgs, dst, num_segments=N)
        feat = agg * norm[:, None]
    out = feat @ W
    return jax.nn.relu(out)

if __name__ == "__main__":
    import jax
    _d = setup_inputs()
    print(jax.jit(kernel)(*tuple(_d.values())))

</pallas_src>

<mosaic_0001>
#map = affine_map<(d0, d1) -> (0, 0)>
module attributes {stable_mosaic.version = 14 : i64} {
  func.func @deg_kernel(%arg0: i32, %arg1: i32, %arg2: memref<32x10304xi32, #tpu.memory_space<hbm>>, %arg3: memref<32x10112xf32, #tpu.memory_space<hbm>>, %arg4: memref<10304xi32, #tpu.memory_space<vmem>>, %arg5: memref<10112xf32, #tpu.memory_space<vmem>>) attributes {dimension_semantics = [#tpu.dimension_semantics<core_parallel>, #tpu.dimension_semantics<subcore_parallel>], iteration_bounds = array<i64: 2, 16>, scalar_prefetch = 0 : i64, scratch_operands = 2 : i64, tpu.core_type = #tpu.core_type<sc_vector_subcore>, window_params = [{transform_indices = #map}, {transform_indices = #map}]} {
    %mul3A = arith.constant 16 : i32
    %mul3A_0 = arith.muli %arg0, %mul3A : i32
    %add3A = arith.addi %mul3A_0, %arg1 : i32
    "tpu.region"() ({
      %run_scoped3A = tpu.sem_alloc : memref<!tpu.dma_semaphore, #tpu.memory_space<semaphore_mem>>
      %dma_start3A = arith.constant 0 : i32
      %dma_start3A_11 = tpu.memref_slice %arg2[%add3A, %dma_start3A] : memref<32x10304xi32, #tpu.memory_space<hbm>> -> memref<1x10304xi32, #tpu.memory_space<hbm>>
      %dma_start3A_12 = tpu.memref_squeeze %dma_start3A_11 : memref<1x10304xi32, #tpu.memory_space<hbm>> -> memref<10304xi32, #tpu.memory_space<hbm>>
      %dma_start3A_13 = arith.constant 0 : i32
      %dma_start3A_14 = tpu.memref_slice %arg2[%add3A, %dma_start3A_13] : memref<32x10304xi32, #tpu.memory_space<hbm>> -> memref<1x10304xi32, #tpu.memory_space<hbm>>
      %dma_start3A_15 = tpu.memref_squeeze %dma_start3A_14 : memref<1x10304xi32, #tpu.memory_space<hbm>> -> memref<10304xi32, #tpu.memory_space<hbm>>
      tpu.enqueue_dma source(%dma_start3A_15 : memref<10304xi32, #tpu.memory_space<hbm>>) target(%arg4 : memref<10304xi32, #tpu.memory_space<vmem>>) target_semaphore(%run_scoped3A : memref<!tpu.dma_semaphore, #tpu.memory_space<semaphore_mem>>)
      %dma_wait3A = arith.constant 0 : i32
      %dma_wait3A_16 = tpu.memref_slice %arg2[%add3A, %dma_wait3A] : memref<32x10304xi32, #tpu.memory_space<hbm>> -> memref<1x10304xi32, #tpu.memory_space<hbm>>
      %dma_wait3A_17 = tpu.memref_squeeze %dma_wait3A_16 : memref<1x10304xi32, #tpu.memory_space<hbm>> -> memref<10304xi32, #tpu.memory_space<hbm>>
      %dma_wait3A_18 = arith.constant 0 : i32
      %dma_wait3A_19 = tpu.memref_slice %arg2[%add3A, %dma_wait3A_18] : memref<32x10304xi32, #tpu.memory_space<hbm>> -> memref<1x10304xi32, #tpu.memory_space<hbm>>
      %dma_wait3A_20 = tpu.memref_squeeze %dma_wait3A_19 : memref<1x10304xi32, #tpu.memory_space<hbm>> -> memref<10304xi32, #tpu.memory_space<hbm>>
      tpu.wait_dma2 semaphore(%run_scoped3A : memref<!tpu.dma_semaphore, #tpu.memory_space<semaphore_mem>>) src(%dma_wait3A_20 : memref<10304xi32, #tpu.memory_space<hbm>>) dst(%arg4 : memref<10304xi32, #tpu.memory_space<vmem>>)
      tpu.yield
    }) : () -> ()
    %scan3A = arith.constant 0 : i32
    %scan3A_1 = arith.constant 632 : i32
    %scan3A_2 = arith.addi %scan3A, %scan3A_1 : i32
    %scan3A_3 = arith.constant 4 : i32
    scf.for %scan3A_11 = %scan3A to %scan3A_2 step %scan3A_3  : i32 {
      %mul3A_12 = arith.constant 1 : i32
      %mul3A_13 = arith.muli %scan3A_11, %mul3A_12 : i32
      %add3A_14 = arith.constant 0 : i32
      %add3A_15 = arith.addi %add3A_14, %mul3A_13 : i32
      %broadcast_in_dim3A_16 = arith.constant 0.000000e+00 : f32
      %broadcast_in_dim3A_17 = vector.broadcast %broadcast_in_dim3A_16 : f32 to vector<16xf32>
      %mul3A_18 = arith.constant 16 : i32
      %mul3A_19 = arith.muli %add3A_15, %mul3A_18 : i32
      %swap3A = arith.index_cast %mul3A_19 : i32 to index
      %swap3A_20 = tpu.vector_load %arg5[%swap3A] {strides = array<i32>} : memref<10112xf32, #tpu.memory_space<vmem>>, vector<16xf32>,
      tpu.vector_store %arg5[%swap3A], %broadcast_in_dim3A_17 {strides = array<i32>} : memref<10112xf32, #tpu.memory_space<vmem>>, vector<16xf32>,
      %scan3A_21 = arith.constant 1 : i32
      %scan3A_22 = arith.addi %scan3A_11, %scan3A_21 : i32
      %mul3A_23 = arith.constant 1 : i32
      %mul3A_24 = arith.muli %scan3A_22, %mul3A_23 : i32
      %add3A_25 = arith.constant 0 : i32
      %add3A_26 = arith.addi %add3A_25, %mul3A_24 : i32
      %broadcast_in_dim3A_27 = arith.constant 0.000000e+00 : f32
      %broadcast_in_dim3A_28 = vector.broadcast %broadcast_in_dim3A_27 : f32 to vector<16xf32>
      %mul3A_29 = arith.constant 16 : i32
      %mul3A_30 = arith.muli %add3A_26, %mul3A_29 : i32
      %swap3A_31 = arith.index_cast %mul3A_30 : i32 to index
      %swap3A_32 = tpu.vector_load %arg5[%swap3A_31] {strides = array<i32>} : memref<10112xf32, #tpu.memory_space<vmem>>, vector<16xf32>,
      tpu.vector_store %arg5[%swap3A_31], %broadcast_in_dim3A_28 {strides = array<i32>} : memref<10112xf32, #tpu.memory_space<vmem>>, vector<16xf32>,
      %scan3A_33 = arith.constant 2 : i32
      %scan3A_34 = arith.addi %scan3A_11, %scan3A_33 : i32
      %mul3A_35 = arith.constant 1 : i32
      %mul3A_36 = arith.muli %scan3A_34, %mul3A_35 : i32
      %add3A_37 = arith.constant 0 : i32
      %add3A_38 = arith.addi %add3A_37, %mul3A_36 : i32
      %broadcast_in_dim3A_39 = arith.constant 0.000000e+00 : f32
      %broadcast_in_dim3A_40 = vector.broadcast %broadcast_in_dim3A_39 : f32 to vector<16xf32>
      %mul3A_41 = arith.constant 16 : i32
      %mul3A_42 = arith.muli %add3A_38, %mul3A_41 : i32
      %swap3A_43 = arith.index_cast %mul3A_42 : i32 to index
      %swap3A_44 = tpu.vector_load %arg5[%swap3A_43] {strides = array<i32>} : memref<10112xf32, #tpu.memory_space<vmem>>, vector<16xf32>,
      tpu.vector_store %arg5[%swap3A_43], %broadcast_in_dim3A_40 {strides = array<i32>} : memref<10112xf32, #tpu.memory_space<vmem>>, vector<16xf32>,
      %scan3A_45 = arith.constant 3 : i32
      %scan3A_46 = arith.addi %scan3A_11, %scan3A_45 : i32
      %mul3A_47 = arith.constant 1 : i32
      %mul3A_48 = arith.muli %scan3A_46, %mul3A_47 : i32
      %add3A_49 = arith.constant 0 : i32
      %add3A_50 = arith.addi %add3A_49, %mul3A_48 : i32
      %broadcast_in_dim3A_51 = arith.constant 0.000000e+00 : f32
      %broadcast_in_dim3A_52 = vector.broadcast %broadcast_in_dim3A_51 : f32 to vector<16xf32>
      %mul3A_53 = arith.constant 16 : i32
      %mul3A_54 = arith.muli %add3A_50, %mul3A_53 : i32
      %swap3A_55 = arith.index_cast %mul3A_54 : i32 to index
      %swap3A_56 = tpu.vector_load %arg5[%swap3A_55] {strides = array<i32>} : memref<10112xf32, #tpu.memory_space<vmem>>, vector<16xf32>,
      tpu.vector_store %arg5[%swap3A_55], %broadcast_in_dim3A_52 {strides = array<i32>} : memref<10112xf32, #tpu.memory_space<vmem>>, vector<16xf32>,
    }
    %scan3A_4 = arith.constant 632 : i32
    %broadcast_in_dim3A = arith.constant 1.000000e+00 : f32
    %broadcast_in_dim3A_5 = vector.broadcast %broadcast_in_dim3A : f32 to vector<16xf32>
    %scan3A_6 = arith.constant 0 : i32
    %scan3A_7 = arith.constant 644 : i32
    %scan3A_8 = arith.addi %scan3A_6, %scan3A_7 : i32
    %scan3A_9 = arith.constant 4 : i32
    scf.for %scan3A_11 = %scan3A_6 to %scan3A_8 step %scan3A_9  : i32 {
      %mul3A_12 = arith.constant 1 : i32
      %mul3A_13 = arith.muli %scan3A_11, %mul3A_12 : i32
      %add3A_14 = arith.constant 0 : i32
      %add3A_15 = arith.addi %add3A_14, %mul3A_13 : i32
      %mul3A_16 = arith.constant 16 : i32
      %mul3A_17 = arith.muli %add3A_15, %mul3A_16 : i32
      %get3A = arith.index_cast %mul3A_17 : i32 to index
      %get3A_18 = tpu.vector_load %arg4[%get3A] {strides = array<i32>} : memref<10304xi32, #tpu.memory_space<vmem>>, vector<16xi32>,
      tpu.vector_store_idx %arg5[%get3A_18], %broadcast_in_dim3A_5 {add = true} : memref<10112xf32, #tpu.memory_space<vmem>>[vector<16xi32>], vector<16xf32>,
      %scan3A_19 = arith.constant 1 : i32
      %scan3A_20 = arith.addi %scan3A_11, %scan3A_19 : i32
      %mul3A_21 = arith.constant 1 : i32
      %mul3A_22 = arith.muli %scan3A_20, %mul3A_21 : i32
      %add3A_23 = arith.constant 0 : i32
      %add3A_24 = arith.addi %add3A_23, %mul3A_22 : i32
      %mul3A_25 = arith.constant 16 : i32
      %mul3A_26 = arith.muli %add3A_24, %mul3A_25 : i32
      %get3A_27 = arith.index_cast %mul3A_26 : i32 to index
      %get3A_28 = tpu.vector_load %arg4[%get3A_27] {strides = array<i32>} : memref<10304xi32, #tpu.memory_space<vmem>>, vector<16xi32>,
      tpu.vector_store_idx %arg5[%get3A_28], %broadcast_in_dim3A_5 {add = true} : memref<10112xf32, #tpu.memory_space<vmem>>[vector<16xi32>], vector<16xf32>,
      %scan3A_29 = arith.constant 2 : i32
      %scan3A_30 = arith.addi %scan3A_11, %scan3A_29 : i32
      %mul3A_31 = arith.constant 1 : i32
      %mul3A_32 = arith.muli %scan3A_30, %mul3A_31 : i32
      %add3A_33 = arith.constant 0 : i32
      %add3A_34 = arith.addi %add3A_33, %mul3A_32 : i32
      %mul3A_35 = arith.constant 16 : i32
      %mul3A_36 = arith.muli %add3A_34, %mul3A_35 : i32
      %get3A_37 = arith.index_cast %mul3A_36 : i32 to index
      %get3A_38 = tpu.vector_load %arg4[%get3A_37] {strides = array<i32>} : memref<10304xi32, #tpu.memory_space<vmem>>, vector<16xi32>,
      tpu.vector_store_idx %arg5[%get3A_38], %broadcast_in_dim3A_5 {add = true} : memref<10112xf32, #tpu.memory_space<vmem>>[vector<16xi32>], vector<16xf32>,
      %scan3A_39 = arith.constant 3 : i32
      %scan3A_40 = arith.addi %scan3A_11, %scan3A_39 : i32
      %mul3A_41 = arith.constant 1 : i32
      %mul3A_42 = arith.muli %scan3A_40, %mul3A_41 : i32
      %add3A_43 = arith.constant 0 : i32
      %add3A_44 = arith.addi %add3A_43, %mul3A_42 : i32
      %mul3A_45 = arith.constant 16 : i32
      %mul3A_46 = arith.muli %add3A_44, %mul3A_45 : i32
      %get3A_47 = arith.index_cast %mul3A_46 : i32 to index
      %get3A_48 = tpu.vector_load %arg4[%get3A_47] {strides = array<i32>} : memref<10304xi32, #tpu.memory_space<vmem>>, vector<16xi32>,
      tpu.vector_store_idx %arg5[%get3A_48], %broadcast_in_dim3A_5 {add = true} : memref<10112xf32, #tpu.memory_space<vmem>>[vector<16xi32>], vector<16xf32>,
    }
    %scan3A_10 = arith.constant 644 : i32
    "tpu.region"() ({
      %run_scoped3A = tpu.sem_alloc : memref<!tpu.dma_semaphore, #tpu.memory_space<semaphore_mem>>
      %dma_start3A = arith.constant 0 : i32
      %dma_start3A_11 = tpu.memref_slice %arg3[%add3A, %dma_start3A] : memref<32x10112xf32, #tpu.memory_space<hbm>> -> memref<1x10112xf32, #tpu.memory_space<hbm>>
      %dma_start3A_12 = tpu.memref_squeeze %dma_start3A_11 : memref<1x10112xf32, #tpu.memory_space<hbm>> -> memref<10112xf32, #tpu.memory_space<hbm>>
      %dma_start3A_13 = arith.constant 0 : i32
      %dma_start3A_14 = tpu.memref_slice %arg3[%add3A, %dma_start3A_13] : memref<32x10112xf32, #tpu.memory_space<hbm>> -> memref<1x10112xf32, #tpu.memory_space<hbm>>
      %dma_start3A_15 = tpu.memref_squeeze %dma_start3A_14 : memref<1x10112xf32, #tpu.memory_space<hbm>> -> memref<10112xf32, #tpu.memory_space<hbm>>
      tpu.enqueue_dma source(%arg5 : memref<10112xf32, #tpu.memory_space<vmem>>) target(%dma_start3A_15 : memref<10112xf32, #tpu.memory_space<hbm>>) target_semaphore(%run_scoped3A : memref<!tpu.dma_semaphore, #tpu.memory_space<semaphore_mem>>)
      %dma_wait3A = arith.constant 0 : i32
      %dma_wait3A_16 = tpu.memref_slice %arg3[%add3A, %dma_wait3A] : memref<32x10112xf32, #tpu.memory_space<hbm>> -> memref<1x10112xf32, #tpu.memory_space<hbm>>
      %dma_wait3A_17 = tpu.memref_squeeze %dma_wait3A_16 : memref<1x10112xf32, #tpu.memory_space<hbm>> -> memref<10112xf32, #tpu.memory_space<hbm>>
      %dma_wait3A_18 = arith.constant 0 : i32
      %dma_wait3A_19 = tpu.memref_slice %arg3[%add3A, %dma_wait3A_18] : memref<32x10112xf32, #tpu.memory_space<hbm>> -> memref<1x10112xf32, #tpu.memory_space<hbm>>
      %dma_wait3A_20 = tpu.memref_squeeze %dma_wait3A_19 : memref<1x10112xf32, #tpu.memory_space<hbm>> -> memref<10112xf32, #tpu.memory_space<hbm>>
      tpu.wait_dma2 semaphore(%run_scoped3A : memref<!tpu.dma_semaphore, #tpu.memory_space<semaphore_mem>>) src(%arg5 : memref<10112xf32, #tpu.memory_space<vmem>>) dst(%dma_wait3A_20 : memref<10112xf32, #tpu.memory_space<hbm>>)
      tpu.yield
    }) : () -> ()
    return
  }
}

#map = affine_map<(d0, d1) -> (0, 0)>
#map1 = affine_map<(d0, d1) -> (0, 0, 0)>
module attributes {stable_mosaic.version = 14 : i64} {
  func.func @hop_kernel(%arg0: i32, %arg1: i32, %arg2: memref<10112x64xf32, #tpu.memory_space<hbm>>, %arg3: memref<32x92x112xi32, #tpu.memory_space<hbm>>, %arg4: memref<32x92x112xi32, #tpu.memory_space<hbm>>, %arg5: memref<10112x64xf32, #tpu.memory_space<hbm>>, %arg6: memref<2x10112x64xf32, #tpu.memory_space<hbm>>, %arg7: memref<92x112xi32, #tpu.memory_space<vmem>>, %arg8: memref<92x112xi32, #tpu.memory_space<vmem>>, %arg9: memref<112x64xf32, #tpu.memory_space<vmem>>, %arg10: memref<112x64xf32, #tpu.memory_space<vmem>>, %arg11: memref<112x64xf32, #tpu.memory_space<vmem>>, %arg12: memref<112x64xf32, #tpu.memory_space<vmem>>, %arg13: memref<10112x64xf32, #tpu.memory_space<vmem_shared>>, %arg14: memref<10112x64xf32, #tpu.memory_space<vmem_shared>>, %arg15: memref<4x!tpu.dma_semaphore, #tpu.memory_space<semaphore_mem>>, %arg16: memref<4x!tpu.dma_semaphore, #tpu.memory_space<semaphore_mem>>) attributes {dimension_semantics = [#tpu.dimension_semantics<core_parallel>, #tpu.dimension_semantics<subcore_parallel>], iteration_bounds = array<i64: 2, 16>, scalar_prefetch = 0 : i64, scratch_operands = 10 : i64, tpu.core_type = #tpu.core_type<sc_vector_subcore>, window_params = [{transform_indices = #map}, {transform_indices = #map1}, {transform_indices = #map1}, {transform_indices = #map}, {transform_indices = #map1}]} {
    %mul3A = arith.constant 16 : i32
    %mul3A_0 = arith.muli %arg0, %mul3A : i32
    %add3A = arith.addi %mul3A_0, %arg1 : i32
    %mul3A_1 = arith.constant 632 : i32
    %mul3A_2 = arith.muli %arg1, %mul3A_1 : i32
    %multiple_of3A = tpu.assume_multiple %mul3A_2, 8 : i32
    "tpu.region"() ({
      %run_scoped3A = tpu.sem_alloc : memref<!tpu.dma_semaphore, #tpu.memory_space<semaphore_mem>>
      %dma_start3A_46 = arith.constant 0 : i32
      %dma_start3A_47 = tpu.memref_slice %arg14[%multiple_of3A, %dma_start3A_46] : memref<10112x64xf32, #tpu.memory_space<vmem_shared>> -> memref<632x64xf32, #tpu.memory_space<vmem_shared>>
      %dma_start3A_48 = arith.constant 0 : i32
      %dma_start3A_49 = tpu.memref_slice %arg5[%multiple_of3A, %dma_start3A_48] : memref<10112x64xf32, #tpu.memory_space<hbm>> -> memref<632x64xf32, #tpu.memory_space<hbm>>
      tpu.enqueue_dma source(%dma_start3A_49 : memref<632x64xf32, #tpu.memory_space<hbm>>) target(%dma_start3A_47 : memref<632x64xf32, #tpu.memory_space<vmem_shared>>) target_semaphore(%run_scoped3A : memref<!tpu.dma_semaphore, #tpu.memory_space<semaphore_mem>>)
      %dma_wait3A_50 = arith.constant 0 : i32
      %dma_wait3A_51 = tpu.memref_slice %arg14[%multiple_of3A, %dma_wait3A_50] : memref<10112x64xf32, #tpu.memory_space<vmem_shared>> -> memref<632x64xf32, #tpu.memory_space<vmem_shared>>
      %dma_wait3A_52 = arith.constant 0 : i32
      %dma_wait3A_53 = tpu.memref_slice %arg5[%multiple_of3A, %dma_wait3A_52] : memref<10112x64xf32, #tpu.memory_space<hbm>> -> memref<632x64xf32, #tpu.memory_space<hbm>>
      tpu.wait_dma2 semaphore(%run_scoped3A : memref<!tpu.dma_semaphore, #tpu.memory_space<semaphore_mem>>) src(%dma_wait3A_53 : memref<632x64xf32, #tpu.memory_space<hbm>>) dst(%dma_wait3A_51 : memref<632x64xf32, #tpu.memory_space<vmem_shared>>)
      tpu.yield
    }) : () -> ()
    "tpu.region"() ({
      %run_scoped3A = tpu.sem_alloc : memref<!tpu.dma_semaphore, #tpu.memory_space<semaphore_mem>>
      %dma_start3A_46 = arith.constant 0 : i32
      %dma_start3A_47 = tpu.memref_slice %arg13[%multiple_of3A, %dma_start3A_46] : memref<10112x64xf32, #tpu.memory_space<vmem_shared>> -> memref<632x64xf32, #tpu.memory_space<vmem_shared>>
      %dma_start3A_48 = arith.constant 0 : i32
      %dma_start3A_49 = tpu.memref_slice %arg2[%multiple_of3A, %dma_start3A_48] : memref<10112x64xf32, #tpu.memory_space<hbm>> -> memref<632x64xf32, #tpu.memory_space<hbm>>
      tpu.enqueue_dma source(%dma_start3A_49 : memref<632x64xf32, #tpu.memory_space<hbm>>) target(%dma_start3A_47 : memref<632x64xf32, #tpu.memory_space<vmem_shared>>) target_semaphore(%run_scoped3A : memref<!tpu.dma_semaphore, #tpu.memory_space<semaphore_mem>>)
      %dma_wait3A_50 = arith.constant 0 : i32
      %dma_wait3A_51 = tpu.memref_slice %arg13[%multiple_of3A, %dma_wait3A_50] : memref<10112x64xf32, #tpu.memory_space<vmem_shared>> -> memref<632x64xf32, #tpu.memory_space<vmem_shared>>
      %dma_wait3A_52 = arith.constant 0 : i32
      %dma_wait3A_53 = tpu.memref_slice %arg2[%multiple_of3A, %dma_wait3A_52] : memref<10112x64xf32, #tpu.memory_space<hbm>> -> memref<632x64xf32, #tpu.memory_space<hbm>>
      tpu.wait_dma2 semaphore(%run_scoped3A : memref<!tpu.dma_semaphore, #tpu.memory_space<semaphore_mem>>) src(%dma_wait3A_53 : memref<632x64xf32, #tpu.memory_space<hbm>>) dst(%dma_wait3A_51 : memref<632x64xf32, #tpu.memory_space<vmem_shared>>)
      tpu.yield
    }) : () -> ()
    "tpu.region"() ({
      %run_scoped3A = tpu.sem_alloc : memref<!tpu.dma_semaphore, #tpu.memory_space<semaphore_mem>>
      %dma_start3A_46 = arith.constant 0 : i32
      %dma_start3A_47 = arith.constant 0 : i32
      %dma_start3A_48 = tpu.memref_slice %arg3[%add3A, %dma_start3A_46, %dma_start3A_47] : memref<32x92x112xi32, #tpu.memory_space<hbm>> -> memref<1x92x112xi32, #tpu.memory_space<hbm>>
      %dma_start3A_49 = tpu.memref_squeeze %dma_start3A_48 : memref<1x92x112xi32, #tpu.memory_space<hbm>> -> memref<92x112xi32, #tpu.memory_space<hbm>>
      %dma_start3A_50 = arith.constant 0 : i32
      %dma_start3A_51 = arith.constant 0 : i32
      %dma_start3A_52 = tpu.memref_slice %arg3[%add3A, %dma_start3A_50, %dma_start3A_51] : memref<32x92x112xi32, #tpu.memory_space<hbm>> -> memref<1x92x112xi32, #tpu.memory_space<hbm>>
      %dma_start3A_53 = tpu.memref_squeeze %dma_start3A_52 : memref<1x92x112xi32, #tpu.memory_space<hbm>> -> memref<92x112xi32, #tpu.memory_space<hbm>>
      tpu.enqueue_dma source(%dma_start3A_53 : memref<92x112xi32, #tpu.memory_space<hbm>>) target(%arg7 : memref<92x112xi32, #tpu.memory_space<vmem>>) target_semaphore(%run_scoped3A : memref<!tpu.dma_semaphore, #tpu.memory_space<semaphore_mem>>)
      %dma_wait3A_54 = arith.constant 0 : i32
      %dma_wait3A_55 = arith.constant 0 : i32
      %dma_wait3A_56 = tpu.memref_slice %arg3[%add3A, %dma_wait3A_54, %dma_wait3A_55] : memref<32x92x112xi32, #tpu.memory_space<hbm>> -> memref<1x92x112xi32, #tpu.memory_space<hbm>>
      %dma_wait3A_57 = tpu.memref_squeeze %dma_wait3A_56 : memref<1x92x112xi32, #tpu.memory_space<hbm>> -> memref<92x112xi32, #tpu.memory_space<hbm>>
      %dma_wait3A_58 = arith.constant 0 : i32
      %dma_wait3A_59 = arith.constant 0 : i32
      %dma_wait3A_60 = tpu.memref_slice %arg3[%add3A, %dma_wait3A_58, %dma_wait3A_59] : memref<32x92x112xi32, #tpu.memory_space<hbm>> -> memref<1x92x112xi32, #tpu.memory_space<hbm>>
      %dma_wait3A_61 = tpu.memref_squeeze %dma_wait3A_60 : memref<1x92x112xi32, #tpu.memory_space<hbm>> -> memref<92x112xi32, #tpu.memory_space<hbm>>
      tpu.wait_dma2 semaphore(%run_scoped3A : memref<!tpu.dma_semaphore, #tpu.memory_space<semaphore_mem>>) src(%dma_wait3A_61 : memref<92x112xi32, #tpu.memory_space<hbm>>) dst(%arg7 : memref<92x112xi32, #tpu.memory_space<vmem>>)
      tpu.yield
    }) : () -> ()
    "tpu.region"() ({
      %run_scoped3A = tpu.sem_alloc : memref<!tpu.dma_semaphore, #tpu.memory_space<semaphore_mem>>
      %dma_start3A_46 = arith.constant 0 : i32
      %dma_start3A_47 = arith.constant 0 : i32
      %dma_start3A_48 = tpu.memref_slice %arg4[%add3A, %dma_start3A_46, %dma_start3A_47] : memref<32x92x112xi32, #tpu.memory_space<hbm>> -> memref<1x92x112xi32, #tpu.memory_space<hbm>>
      %dma_start3A_49 = tpu.memref_squeeze %dma_start3A_48 : memref<1x92x112xi32, #tpu.memory_space<hbm>> -> memref<92x112xi32, #tpu.memory_space<hbm>>
      %dma_start3A_50 = arith.constant 0 : i32
      %dma_start3A_51 = arith.constant 0 : i32
      %dma_start3A_52 = tpu.memref_slice %arg4[%add3A, %dma_start3A_50, %dma_start3A_51] : memref<32x92x112xi32, #tpu.memory_space<hbm>> -> memref<1x92x112xi32, #tpu.memory_space<hbm>>
      %dma_start3A_53 = tpu.memref_squeeze %dma_start3A_52 : memref<1x92x112xi32, #tpu.memory_space<hbm>> -> memref<92x112xi32, #tpu.memory_space<hbm>>
      tpu.enqueue_dma source(%dma_start3A_53 : memref<92x112xi32, #tpu.memory_space<hbm>>) target(%arg8 : memref<92x112xi32, #tpu.memory_space<vmem>>) target_semaphore(%run_scoped3A : memref<!tpu.dma_semaphore, #tpu.memory_space<semaphore_mem>>)
      %dma_wait3A_54 = arith.constant 0 : i32
      %dma_wait3A_55 = arith.constant 0 : i32
      %dma_wait3A_56 = tpu.memref_slice %arg4[%add3A, %dma_wait3A_54, %dma_wait3A_55] : memref<32x92x112xi32, #tpu.memory_space<hbm>> -> memref<1x92x112xi32, #tpu.memory_space<hbm>>
      %dma_wait3A_57 = tpu.memref_squeeze %dma_wait3A_56 : memref<1x92x112xi32, #tpu.memory_space<hbm>> -> memref<92x112xi32, #tpu.memory_space<hbm>>
      %dma_wait3A_58 = arith.constant 0 : i32
      %dma_wait3A_59 = arith.constant 0 : i32
      %dma_wait3A_60 = tpu.memref_slice %arg4[%add3A, %dma_wait3A_58, %dma_wait3A_59] : memref<32x92x112xi32, #tpu.memory_space<hbm>> -> memref<1x92x112xi32, #tpu.memory_space<hbm>>
      %dma_wait3A_61 = tpu.memref_squeeze %dma_wait3A_60 : memref<1x92x112xi32, #tpu.memory_space<hbm>> -> memref<92x112xi32, #tpu.memory_space<hbm>>
      tpu.wait_dma2 semaphore(%run_scoped3A : memref<!tpu.dma_semaphore, #tpu.memory_space<semaphore_mem>>) src(%dma_wait3A_61 : memref<92x112xi32, #tpu.memory_space<hbm>>) dst(%arg8 : memref<92x112xi32, #tpu.memory_space<vmem>>)
      tpu.yield
    }) : () -> ()
    %barrier3A = arith.constant 0 : index
    tpu.barrier barrier_id(%barrier3A)
    %dma_start3A = arith.constant 0 : i32
    %dma_start3A_3 = arith.constant 0 : i32
    %dma_start3A_4 = arith.constant 0 : i32
    %dma_start3A_5 = tpu.memref_slice %arg7[%dma_start3A, %dma_start3A_4] : memref<92x112xi32, #tpu.memory_space<vmem>> -> memref<1x112xi32, #tpu.memory_space<vmem>>
    %dma_start3A_6 = tpu.memref_squeeze %dma_start3A_5 : memref<1x112xi32, #tpu.memory_space<vmem>> -> memref<112xi32, #tpu.memory_space<vmem>>
    %dma_start3A_7 = arith.constant 0 : i32
    %dma_start3A_8 = arith.constant 0 : i32
    %dma_start3A_9 = tpu.memref_slice %arg13[%dma_start3A_7, %dma_start3A_8] : memref<10112x64xf32, #tpu.memory_space<vmem_shared>> -> memref<10112x64xf32, #tpu.memory_space<vmem_shared>>
    %dma_start3A_10 = tpu.memref_slice %arg15[%dma_start3A_3] : memref<4x!tpu.dma_semaphore, #tpu.memory_space<semaphore_mem>> -> memref<1x!tpu.dma_semaphore, #tpu.memory_space<semaphore_mem>>
    %dma_start3A_11 = tpu.memref_squeeze %dma_start3A_10 : memref<1x!tpu.dma_semaphore, #tpu.memory_space<semaphore_mem>> -> memref<!tpu.dma_semaphore, #tpu.memory_space<semaphore_mem>>
    tpu.enqueue_indirect_dma source(%dma_start3A_9 : memref<10112x64xf32, #tpu.memory_space<vmem_shared>>) target(%arg9 : memref<112x64xf32, #tpu.memory_space<vmem>>) offsets(%dma_start3A_6 : memref<112xi32, #tpu.memory_space<vmem>>) semaphore(%dma_start3A_11 : memref<!tpu.dma_semaphore, #tpu.memory_space<semaphore_mem>>)
    %dma_start3A_12 = arith.constant 1 : i32
    %dma_start3A_13 = arith.constant 1 : i32
    %dma_start3A_14 = arith.constant 0 : i32
    %dma_start3A_15 = tpu.memref_slice %arg7[%dma_start3A_12, %dma_start3A_14] : memref<92x112xi32, #tpu.memory_space<vmem>> -> memref<1x112xi32, #tpu.memory_space<vmem>>
    %dma_start3A_16 = tpu.memref_squeeze %dma_start3A_15 : memref<1x112xi32, #tpu.memory_space<vmem>> -> memref<112xi32, #tpu.memory_space<vmem>>
    %dma_start3A_17 = arith.constant 0 : i32
    %dma_start3A_18 = arith.constant 0 : i32
    %dma_start3A_19 = tpu.memref_slice %arg13[%dma_start3A_17, %dma_start3A_18] : memref<10112x64xf32, #tpu.memory_space<vmem_shared>> -> memref<10112x64xf32, #tpu.memory_space<vmem_shared>>
    %dma_start3A_20 = tpu.memref_slice %arg15[%dma_start3A_13] : memref<4x!tpu.dma_semaphore, #tpu.memory_space<semaphore_mem>> -> memref<1x!tpu.dma_semaphore, #tpu.memory_space<semaphore_mem>>
    %dma_start3A_21 = tpu.memref_squeeze %dma_start3A_20 : memref<1x!tpu.dma_semaphore, #tpu.memory_space<semaphore_mem>> -> memref<!tpu.dma_semaphore, #tpu.memory_space<semaphore_mem>>
    tpu.enqueue_indirect_dma source(%dma_start3A_19 : memref<10112x64xf32, #tpu.memory_space<vmem_shared>>) target(%arg10 : memref<112x64xf32, #tpu.memory_space<vmem>>) offsets(%dma_start3A_16 : memref<112xi32, #tpu.memory_space<vmem>>) semaphore(%dma_start3A_21 : memref<!tpu.dma_semaphore, #tpu.memory_space<semaphore_mem>>)
    %scan3A = arith.constant 0 : i32
    %scan3A_22 = arith.constant 23 : i32
    %scan3A_23 = arith.addi %scan3A, %scan3A_22 : i32
    %scan3A_24 = arith.constant 1 : i32
    scf.for %scan3A_46 = %scan3A to %scan3A_23 step %scan3A_24  : i32 {
      %mul3A_47 = arith.constant 1 : i32
      %mul3A_48 = arith.muli %scan3A_46, %mul3A_47 : i32
      %add3A_49 = arith.constant 0 : i32
      %add3A_50 = arith.addi %add3A_49, %mul3A_48 : i32
      %mul3A_51 = arith.constant 4 : i32
      %mul3A_52 = arith.muli %add3A_50, %mul3A_51 : i32
      %add3A_53 = arith.constant 0 : i32
      %add3A_54 = arith.addi %mul3A_52, %add3A_53 : i32
      %ge3A = arith.constant 2 : i32
      %ge3A_55 = arith.cmpi sge, %add3A_54, %ge3A : i32
      %convert_element_type3A = arith.extui %ge3A_55 : i1 to i32
      %cond3A = arith.constant 0 : i32
      %cond3A_56 = arith.cmpi ne, %convert_element_type3A, %cond3A : i32
      scf.if %cond3A_56 {
        %sub3A = arith.constant 2 : i32
        %sub3A_183 = arith.subi %add3A_54, %sub3A : i32
        %dma_wait3A_184 = arith.constant 2 : i32
        %dma_wait3A_185 = arith.constant 0 : i32
        %dma_wait3A_186 = tpu.memref_slice %arg8[%sub3A_183, %dma_wait3A_185] : memref<92x112xi32, #tpu.memory_space<vmem>> -> memref<1x112xi32, #tpu.memory_space<vmem>>
        %dma_wait3A_187 = tpu.memref_squeeze %dma_wait3A_186 : memref<1x112xi32, #tpu.memory_space<vmem>> -> memref<112xi32, #tpu.memory_space<vmem>>
        %dma_wait3A_188 = arith.constant 0 : i32
        %dma_wait3A_189 = arith.constant 0 : i32
        %dma_wait3A_190 = tpu.memref_slice %arg14[%dma_wait3A_188, %dma_wait3A_189] : memref<10112x64xf32, #tpu.memory_space<vmem_shared>> -> memref<10112x64xf32, #tpu.memory_space<vmem_shared>>
        %dma_wait3A_191 = tpu.memref_slice %arg16[%dma_wait3A_184] : memref<4x!tpu.dma_semaphore, #tpu.memory_space<semaphore_mem>> -> memref<1x!tpu.dma_semaphore, #tpu.memory_space<semaphore_mem>>
        %dma_wait3A_192 = tpu.memref_squeeze %dma_wait3A_191 : memref<1x!tpu.dma_semaphore, #tpu.memory_space<semaphore_mem>> -> memref<!tpu.dma_semaphore, #tpu.memory_space<semaphore_mem>>
        tpu.wait_indirect_dma semaphore(%dma_wait3A_192 : memref<!tpu.dma_semaphore, #tpu.memory_space<semaphore_mem>>) src(%arg11 : memref<112x64xf32, #tpu.memory_space<vmem>>) dst(%dma_wait3A_190 : memref<10112x64xf32, #tpu.memory_space<vmem_shared>>)
      } else {
      }
      %add3A_57 = arith.constant 2 : i32
      %add3A_58 = arith.addi %add3A_54, %add3A_57 : i32
      %lt3A = arith.constant 92 : i32
      %lt3A_59 = arith.cmpi slt, %add3A_58, %lt3A : i32
      %convert_element_type3A_60 = arith.extui %lt3A_59 : i1 to i32
      %cond3A_61 = arith.constant 0 : i32
      %cond3A_62 = arith.cmpi ne, %convert_element_type3A_60, %cond3A_61 : i32
      scf.if %cond3A_62 {
        %add3A_183 = arith.constant 2 : i32
        %add3A_184 = arith.addi %add3A_54, %add3A_183 : i32
        %dma_start3A_185 = arith.constant 2 : i32
        %dma_start3A_186 = arith.constant 0 : i32
        %dma_start3A_187 = tpu.memref_slice %arg7[%add3A_184, %dma_start3A_186] : memref<92x112xi32, #tpu.memory_space<vmem>> -> memref<1x112xi32, #tpu.memory_space<vmem>>
        %dma_start3A_188 = tpu.memref_squeeze %dma_start3A_187 : memref<1x112xi32, #tpu.memory_space<vmem>> -> memref<112xi32, #tpu.memory_space<vmem>>
        %dma_start3A_189 = arith.constant 0 : i32
        %dma_start3A_190 = arith.constant 0 : i32
        %dma_start3A_191 = tpu.memref_slice %arg13[%dma_start3A_189, %dma_start3A_190] : memref<10112x64xf32, #tpu.memory_space<vmem_shared>> -> memref<10112x64xf32, #tpu.memory_space<vmem_shared>>
        %dma_start3A_192 = tpu.memref_slice %arg15[%dma_start3A_185] : memref<4x!tpu.dma_semaphore, #tpu.memory_space<semaphore_mem>> -> memref<1x!tpu.dma_semaphore, #tpu.memory_space<semaphore_mem>>
        %dma_start3A_193 = tpu.memref_squeeze %dma_start3A_192 : memref<1x!tpu.dma_semaphore, #tpu.memory_space<semaphore_mem>> -> memref<!tpu.dma_semaphore, #tpu.memory_space<semaphore_mem>>
        tpu.enqueue_indirect_dma source(%dma_start3A_191 : memref<10112x64xf32, #tpu.memory_space<vmem_shared>>) target(%arg11 : memref<112x64xf32, #tpu.memory_space<vmem>>) offsets(%dma_start3A_188 : memref<112xi32, #tpu.memory_space<vmem>>) semaphore(%dma_start3A_193 : memref<!tpu.dma_semaphore, #tpu.memory_space<semaphore_mem>>)
      } else {
      }
      %dma_wait3A_63 = arith.constant 0 : i32
      %dma_wait3A_64 = arith.constant 0 : i32
      %dma_wait3A_65 = tpu.memref_slice %arg7[%add3A_54, %dma_wait3A_64] : memref<92x112xi32, #tpu.memory_space<vmem>> -> memref<1x112xi32, #tpu.memory_space<vmem>>
      %dma_wait3A_66 = tpu.memref_squeeze %dma_wait3A_65 : memref<1x112xi32, #tpu.memory_space<vmem>> -> memref<112xi32, #tpu.memory_space<vmem>>
      %dma_wait3A_67 = arith.constant 0 : i32
      %dma_wait3A_68 = arith.constant 0 : i32
      %dma_wait3A_69 = tpu.memref_slice %arg13[%dma_wait3A_67, %dma_wait3A_68] : memref<10112x64xf32, #tpu.memory_space<vmem_shared>> -> memref<10112x64xf32, #tpu.memory_space<vmem_shared>>
      %dma_wait3A_70 = tpu.memref_slice %arg15[%dma_wait3A_63] : memref<4x!tpu.dma_semaphore, #tpu.memory_space<semaphore_mem>> -> memref<1x!tpu.dma_semaphore, #tpu.memory_space<semaphore_mem>>
      %dma_wait3A_71 = tpu.memref_squeeze %dma_wait3A_70 : memref<1x!tpu.dma_semaphore, #tpu.memory_space<semaphore_mem>> -> memref<!tpu.dma_semaphore, #tpu.memory_space<semaphore_mem>>
      tpu.wait_indirect_dma semaphore(%dma_wait3A_71 : memref<!tpu.dma_semaphore, #tpu.memory_space<semaphore_mem>>) src(%dma_wait3A_69 : memref<10112x64xf32, #tpu.memory_space<vmem_shared>>) dst(%arg9 : memref<112x64xf32, #tpu.memory_space<vmem>>)
      %dma_start3A_72 = arith.constant 0 : i32
      %dma_start3A_73 = arith.constant 0 : i32
      %dma_start3A_74 = tpu.memref_slice %arg8[%add3A_54, %dma_start3A_73] : memref<92x112xi32, #tpu.memory_space<vmem>> -> memref<1x112xi32, #tpu.memory_space<vmem>>
      %dma_start3A_75 = tpu.memref_squeeze %dma_start3A_74 : memref<1x112xi32, #tpu.memory_space<vmem>> -> memref<112xi32, #tpu.memory_space<vmem>>
      %dma_start3A_76 = arith.constant 0 : i32
      %dma_start3A_77 = arith.constant 0 : i32
      %dma_start3A_78 = tpu.memref_slice %arg14[%dma_start3A_76, %dma_start3A_77] : memref<10112x64xf32, #tpu.memory_space<vmem_shared>> -> memref<10112x64xf32, #tpu.memory_space<vmem_shared>>
      %dma_start3A_79 = tpu.memref_slice %arg16[%dma_start3A_72] : memref<4x!tpu.dma_semaphore, #tpu.memory_space<semaphore_mem>> -> memref<1x!tpu.dma_semaphore, #tpu.memory_space<semaphore_mem>>
      %dma_start3A_80 = tpu.memref_squeeze %dma_start3A_79 : memref<1x!tpu.dma_semaphore, #tpu.memory_space<semaphore_mem>> -> memref<!tpu.dma_semaphore, #tpu.memory_space<semaphore_mem>>
      tpu.enqueue_indirect_dma source(%arg9 : memref<112x64xf32, #tpu.memory_space<vmem>>) target(%dma_start3A_78 : memref<10112x64xf32, #tpu.memory_space<vmem_shared>>) offsets(%dma_start3A_75 : memref<112xi32, #tpu.memory_space<vmem>>) semaphore(%dma_start3A_80 : memref<!tpu.dma_semaphore, #tpu.memory_space<semaphore_mem>>) {add = true}
      %mul3A_81 = arith.constant 4 : i32
      %mul3A_82 = arith.muli %add3A_50, %mul3A_81 : i32
      %add3A_83 = arith.constant 1 : i32
      %add3A_84 = arith.addi %mul3A_82, %add3A_83 : i32
      %ge3A_85 = arith.constant 2 : i32
      %ge3A_86 = arith.cmpi sge, %add3A_84, %ge3A_85 : i32
      %convert_element_type3A_87 = arith.extui %ge3A_86 : i1 to i32
      %cond3A_88 = arith.constant 0 : i32
      %cond3A_89 = arith.cmpi ne, %convert_element_type3A_87, %cond3A_88 : i32
      scf.if %cond3A_89 {
        %sub3A = arith.constant 2 : i32
        %sub3A_183 = arith.subi %add3A_84, %sub3A : i32
        %dma_wait3A_184 = arith.constant 3 : i32
        %dma_wait3A_185 = arith.constant 0 : i32
        %dma_wait3A_186 = tpu.memref_slice %arg8[%sub3A_183, %dma_wait3A_185] : memref<92x112xi32, #tpu.memory_space<vmem>> -> memref<1x112xi32, #tpu.memory_space<vmem>>
        %dma_wait3A_187 = tpu.memref_squeeze %dma_wait3A_186 : memref<1x112xi32, #tpu.memory_space<vmem>> -> memref<112xi32, #tpu.memory_space<vmem>>
        %dma_wait3A_188 = arith.constant 0 : i32
        %dma_wait3A_189 = arith.constant 0 : i32
        %dma_wait3A_190 = tpu.memref_slice %arg14[%dma_wait3A_188, %dma_wait3A_189] : memref<10112x64xf32, #tpu.memory_space<vmem_shared>> -> memref<10112x64xf32, #tpu.memory_space<vmem_shared>>
        %dma_wait3A_191 = tpu.memref_slice %arg16[%dma_wait3A_184] : memref<4x!tpu.dma_semaphore, #tpu.memory_space<semaphore_mem>> -> memref<1x!tpu.dma_semaphore, #tpu.memory_space<semaphore_mem>>
        %dma_wait3A_192 = tpu.memref_squeeze %dma_wait3A_191 : memref<1x!tpu.dma_semaphore, #tpu.memory_space<semaphore_mem>> -> memref<!tpu.dma_semaphore, #tpu.memory_space<semaphore_mem>>
        tpu.wait_indirect_dma semaphore(%dma_wait3A_192 : memref<!tpu.dma_semaphore, #tpu.memory_space<semaphore_mem>>) src(%arg12 : memref<112x64xf32, #tpu.memory_space<vmem>>) dst(%dma_wait3A_190 : memref<10112x64xf32, #tpu.memory_space<vmem_shared>>)
      } else {
      }
      %add3A_90 = arith.constant 2 : i32
      %add3A_91 = arith.addi %add3A_84, %add3A_90 : i32
      %lt3A_92 = arith.constant 92 : i32
      %lt3A_93 = arith.cmpi slt, %add3A_91, %lt3A_92 : i32
      %convert_element_type3A_94 = arith.extui %lt3A_93 : i1 to i32
      %cond3A_95 = arith.constant 0 : i32
      %cond3A_96 = arith.cmpi ne, %convert_element_type3A_94, %cond3A_95 : i32
      scf.if %cond3A_96 {
        %add3A_183 = arith.constant 2 : i32
        %add3A_184 = arith.addi %add3A_84, %add3A_183 : i32
        %dma_start3A_185 = arith.constant 3 : i32
        %dma_start3A_186 = arith.constant 0 : i32
        %dma_start3A_187 = tpu.memref_slice %arg7[%add3A_184, %dma_start3A_186] : memref<92x112xi32, #tpu.memory_space<vmem>> -> memref<1x112xi32, #tpu.memory_space<vmem>>
        %dma_start3A_188 = tpu.memref_squeeze %dma_start3A_187 : memref<1x112xi32, #tpu.memory_space<vmem>> -> memref<112xi32, #tpu.memory_space<vmem>>
        %dma_start3A_189 = arith.constant 0 : i32
        %dma_start3A_190 = arith.constant 0 : i32
        %dma_start3A_191 = tpu.memref_slice %arg13[%dma_start3A_189, %dma_start3A_190] : memref<10112x64xf32, #tpu.memory_space<vmem_shared>> -> memref<10112x64xf32, #tpu.memory_space<vmem_shared>>
        %dma_start3A_192 = tpu.memref_slice %arg15[%dma_start3A_185] : memref<4x!tpu.dma_semaphore, #tpu.memory_space<semaphore_mem>> -> memref<1x!tpu.dma_semaphore, #tpu.memory_space<semaphore_mem>>
        %dma_start3A_193 = tpu.memref_squeeze %dma_start3A_192 : memref<1x!tpu.dma_semaphore, #tpu.memory_space<semaphore_mem>> -> memref<!tpu.dma_semaphore, #tpu.memory_space<semaphore_mem>>
        tpu.enqueue_indirect_dma source(%dma_start3A_191 : memref<10112x64xf32, #tpu.memory_space<vmem_shared>>) target(%arg12 : memref<112x64xf32, #tpu.memory_space<vmem>>) offsets(%dma_start3A_188 : memref<112xi32, #tpu.memory_space<vmem>>) semaphore(%dma_start3A_193 : memref<!tpu.dma_semaphore, #tpu.memory_space<semaphore_mem>>)
      } else {
      }
      %dma_wait3A_97 = arith.constant 1 : i32
      %dma_wait3A_98 = arith.constant 0 : i32
      %dma_wait3A_99 = tpu.memref_slice %arg7[%add3A_84, %dma_wait3A_98] : memref<92x112xi32, #tpu.memory_space<vmem>> -> memref<1x112xi32, #tpu.memory_space<vmem>>
      %dma_wait3A_100 = tpu.memref_squeeze %dma_wait3A_99 : memref<1x112xi32, #tpu.memory_space<vmem>> -> memref<112xi32, #tpu.memory_space<vmem>>
      %dma_wait3A_101 = arith.constant 0 : i32
      %dma_wait3A_102 = arith.constant 0 : i32
      %dma_wait3A_103 = tpu.memref_slice %arg13[%dma_wait3A_101, %dma_wait3A_102] : memref<10112x64xf32, #tpu.memory_space<vmem_shared>> -> memref<10112x64xf32, #tpu.memory_space<vmem_shared>>
      %dma_wait3A_104 = tpu.memref_slice %arg15[%dma_wait3A_97] : memref<4x!tpu.dma_semaphore, #tpu.memory_space<semaphore_mem>> -> memref<1x!tpu.dma_semaphore, #tpu.memory_space<semaphore_mem>>
      %dma_wait3A_105 = tpu.memref_squeeze %dma_wait3A_104 : memref<1x!tpu.dma_semaphore, #tpu.memory_space<semaphore_mem>> -> memref<!tpu.dma_semaphore, #tpu.memory_space<semaphore_mem>>
      tpu.wait_indirect_dma semaphore(%dma_wait3A_105 : memref<!tpu.dma_semaphore, #tpu.memory_space<semaphore_mem>>) src(%dma_wait3A_103 : memref<10112x64xf32, #tpu.memory_space<vmem_shared>>) dst(%arg10 : memref<112x64xf32, #tpu.memory_space<vmem>>)
      %dma_start3A_106 = arith.constant 1 : i32
      %dma_start3A_107 = arith.constant 0 : i32
      %dma_start3A_108 = tpu.memref_slice %arg8[%add3A_84, %dma_start3A_107] : memref<92x112xi32, #tpu.memory_space<vmem>> -> memref<1x112xi32, #tpu.memory_space<vmem>>
      %dma_start3A_109 = tpu.memref_squeeze %dma_start3A_108 : memref<1x112xi32, #tpu.memory_space<vmem>> -> memref<112xi32, #tpu.memory_space<vmem>>
      %dma_start3A_110 = arith.constant 0 : i32
      %dma_start3A_111 = arith.constant 0 : i32
      %dma_start3A_112 = tpu.memref_slice %arg14[%dma_start3A_110, %dma_start3A_111] : memref<10112x64xf32, #tpu.memory_space<vmem_shared>> -> memref<10112x64xf32, #tpu.memory_space<vmem_shared>>
      %dma_start3A_113 = tpu.memref_slice %arg16[%dma_start3A_106] : memref<4x!tpu.dma_semaphore, #tpu.memory_space<semaphore_mem>> -> memref<1x!tpu.dma_semaphore, #tpu.memory_space<semaphore_mem>>
      %dma_start3A_114 = tpu.memref_squeeze %dma_start3A_113 : memref<1x!tpu.dma_semaphore, #tpu.memory_space<semaphore_mem>> -> memref<!tpu.dma_semaphore, #tpu.memory_space<semaphore_mem>>
      tpu.enqueue_indirect_dma source(%arg10 : memref<112x64xf32, #tpu.memory_space<vmem>>) target(%dma_start3A_112 : memref<10112x64xf32, #tpu.memory_space<vmem_shared>>) offsets(%dma_start3A_109 : memref<112xi32, #tpu.memory_space<vmem>>) semaphore(%dma_start3A_114 : memref<!tpu.dma_semaphore, #tpu.memory_space<semaphore_mem>>) {add = true}
      %mul3A_115 = arith.constant 4 : i32
      %mul3A_116 = arith.muli %add3A_50, %mul3A_115 : i32
      %add3A_117 = arith.constant 2 : i32
      %add3A_118 = arith.addi %mul3A_116, %add3A_117 : i32
      %ge3A_119 = arith.constant 2 : i32
      %ge3A_120 = arith.cmpi sge, %add3A_118, %ge3A_119 : i32
      %convert_element_type3A_121 = arith.extui %ge3A_120 : i1 to i32
      %cond3A_122 = arith.constant 0 : i32
      %cond3A_123 = arith.cmpi ne, %convert_element_type3A_121, %cond3A_122 : i32
      scf.if %cond3A_123 {
        %sub3A = arith.constant 2 : i32
        %sub3A_183 = arith.subi %add3A_118, %sub3A : i32
        %dma_wait3A_184 = arith.constant 0 : i32
        %dma_wait3A_185 = arith.constant 0 : i32
        %dma_wait3A_186 = tpu.memref_slice %arg8[%sub3A_183, %dma_wait3A_185] : memref<92x112xi32, #tpu.memory_space<vmem>> -> memref<1x112xi32, #tpu.memory_space<vmem>>
        %dma_wait3A_187 = tpu.memref_squeeze %dma_wait3A_186 : memref<1x112xi32, #tpu.memory_space<vmem>> -> memref<112xi32, #tpu.memory_space<vmem>>
        %dma_wait3A_188 = arith.constant 0 : i32
        %dma_wait3A_189 = arith.constant 0 : i32
        %dma_wait3A_190 = tpu.memref_slice %arg14[%dma_wait3A_188, %dma_wait3A_189] : memref<10112x64xf32, #tpu.memory_space<vmem_shared>> -> memref<10112x64xf32, #tpu.memory_space<vmem_shared>>
        %dma_wait3A_191 = tpu.memref_slice %arg16[%dma_wait3A_184] : memref<4x!tpu.dma_semaphore, #tpu.memory_space<semaphore_mem>> -> memref<1x!tpu.dma_semaphore, #tpu.memory_space<semaphore_mem>>
        %dma_wait3A_192 = tpu.memref_squeeze %dma_wait3A_191 : memref<1x!tpu.dma_semaphore, #tpu.memory_space<semaphore_mem>> -> memref<!tpu.dma_semaphore, #tpu.memory_space<semaphore_mem>>
        tpu.wait_indirect_dma semaphore(%dma_wait3A_192 : memref<!tpu.dma_semaphore, #tpu.memory_space<semaphore_mem>>) src(%arg9 : memref<112x64xf32, #tpu.memory_space<vmem>>) dst(%dma_wait3A_190 : memref<10112x64xf32, #tpu.memory_space<vmem_shared>>)
      } else {
      }
      %add3A_124 = arith.constant 2 : i32
      %add3A_125 = arith.addi %add3A_118, %add3A_124 : i32
      %lt3A_126 = arith.constant 92 : i32
      %lt3A_127 = arith.cmpi slt, %add3A_125, %lt3A_126 : i32
      %convert_element_type3A_128 = arith.extui %lt3A_127 : i1 to i32
      %cond3A_129 = arith.constant 0 : i32
      %cond3A_130 = arith.cmpi ne, %convert_element_type3A_128, %cond3A_129 : i32
      scf.if %cond3A_130 {
        %add3A_183 = arith.constant 2 : i32
        %add3A_184 = arith.addi %add3A_118, %add3A_183 : i32
        %dma_start3A_185 = arith.constant 0 : i32
        %dma_start3A_186 = arith.constant 0 : i32
        %dma_start3A_187 = tpu.memref_slice %arg7[%add3A_184, %dma_start3A_186] : memref<92x112xi32, #tpu.memory_space<vmem>> -> memref<1x112xi32, #tpu.memory_space<vmem>>
        %dma_start3A_188 = tpu.memref_squeeze %dma_start3A_187 : memref<1x112xi32, #tpu.memory_space<vmem>> -> memref<112xi32, #tpu.memory_space<vmem>>
        %dma_start3A_189 = arith.constant 0 : i32
        %dma_start3A_190 = arith.constant 0 : i32
        %dma_start3A_191 = tpu.memref_slice %arg13[%dma_start3A_189, %dma_start3A_190] : memref<10112x64xf32, #tpu.memory_space<vmem_shared>> -> memref<10112x64xf32, #tpu.memory_space<vmem_shared>>
        %dma_start3A_192 = tpu.memref_slice %arg15[%dma_start3A_185] : memref<4x!tpu.dma_semaphore, #tpu.memory_space<semaphore_mem>> -> memref<1x!tpu.dma_semaphore, #tpu.memory_space<semaphore_mem>>
        %dma_start3A_193 = tpu.memref_squeeze %dma_start3A_192 : memref<1x!tpu.dma_semaphore, #tpu.memory_space<semaphore_mem>> -> memref<!tpu.dma_semaphore, #tpu.memory_space<semaphore_mem>>
        tpu.enqueue_indirect_dma source(%dma_start3A_191 : memref<10112x64xf32, #tpu.memory_space<vmem_shared>>) target(%arg9 : memref<112x64xf32, #tpu.memory_space<vmem>>) offsets(%dma_start3A_188 : memref<112xi32, #tpu.memory_space<vmem>>) semaphore(%dma_start3A_193 : memref<!tpu.dma_semaphore, #tpu.memory_space<semaphore_mem>>)
      } else {
      }
      %dma_wait3A_131 = arith.constant 2 : i32
      %dma_wait3A_132 = arith.constant 0 : i32
      %dma_wait3A_133 = tpu.memref_slice %arg7[%add3A_118, %dma_wait3A_132] : memref<92x112xi32, #tpu.memory_space<vmem>> -> memref<1x112xi32, #tpu.memory_space<vmem>>
      %dma_wait3A_134 = tpu.memref_squeeze %dma_wait3A_133 : memref<1x112xi32, #tpu.memory_space<vmem>> -> memref<112xi32, #tpu.memory_space<vmem>>
      %dma_wait3A_135 = arith.constant 0 : i32
      %dma_wait3A_136 = arith.constant 0 : i32
      %dma_wait3A_137 = tpu.memref_slice %arg13[%dma_wait3A_135, %dma_wait3A_136] : memref<10112x64xf32, #tpu.memory_space<vmem_shared>> -> memref<10112x64xf32, #tpu.memory_space<vmem_shared>>
      %dma_wait3A_138 = tpu.memref_slice %arg15[%dma_wait3A_131] : memref<4x!tpu.dma_semaphore, #tpu.memory_space<semaphore_mem>> -> memref<1x!tpu.dma_semaphore, #tpu.memory_space<semaphore_mem>>
      %dma_wait3A_139 = tpu.memref_squeeze %dma_wait3A_138 : memref<1x!tpu.dma_semaphore, #tpu.memory_space<semaphore_mem>> -> memref<!tpu.dma_semaphore, #tpu.memory_space<semaphore_mem>>
      tpu.wait_indirect_dma semaphore(%dma_wait3A_139 : memref<!tpu.dma_semaphore, #tpu.memory_space<semaphore_mem>>) src(%dma_wait3A_137 : memref<10112x64xf32, #tpu.memory_space<vmem_shared>>) dst(%arg11 : memref<112x64xf32, #tpu.memory_space<vmem>>)
      %dma_start3A_140 = arith.constant 2 : i32
      %dma_start3A_141 = arith.constant 0 : i32
      %dma_start3A_142 = tpu.memref_slice %arg8[%add3A_118, %dma_start3A_141] : memref<92x112xi32, #tpu.memory_space<vmem>> -> memref<1x112xi32, #tpu.memory_space<vmem>>
      %dma_start3A_143 = tpu.memref_squeeze %dma_start3A_142 : memref<1x112xi32, #tpu.memory_space<vmem>> -> memref<112xi32, #tpu.memory_space<vmem>>
      %dma_start3A_144 = arith.constant 0 : i32
      %dma_start3A_145 = arith.constant 0 : i32
      %dma_start3A_146 = tpu.memref_slice %arg14[%dma_start3A_144, %dma_start3A_145] : memref<10112x64xf32, #tpu.memory_space<vmem_shared>> -> memref<10112x64xf32, #tpu.memory_space<vmem_shared>>
      %dma_start3A_147 = tpu.memref_slice %arg16[%dma_start3A_140] : memref<4x!tpu.dma_semaphore, #tpu.memory_space<semaphore_mem>> -> memref<1x!tpu.dma_semaphore, #tpu.memory_space<semaphore_mem>>
      %dma_start3A_148 = tpu.memref_squeeze %dma_start3A_147 : memref<1x!tpu.dma_semaphore, #tpu.memory_space<semaphore_mem>> -> memref<!tpu.dma_semaphore, #tpu.memory_space<semaphore_mem>>
      tpu.enqueue_indirect_dma source(%arg11 : memref<112x64xf32, #tpu.memory_space<vmem>>) target(%dma_start3A_146 : memref<10112x64xf32, #tpu.memory_space<vmem_shared>>) offsets(%dma_start3A_143 : memref<112xi32, #tpu.memory_space<vmem>>) semaphore(%dma_start3A_148 : memref<!tpu.dma_semaphore, #tpu.memory_space<semaphore_mem>>) {add = true}
      %mul3A_149 = arith.constant 4 : i32
      %mul3A_150 = arith.muli %add3A_50, %mul3A_149 : i32
      %add3A_151 = arith.constant 3 : i32
      %add3A_152 = arith.addi %mul3A_150, %add3A_151 : i32
      %ge3A_153 = arith.constant 2 : i32
      %ge3A_154 = arith.cmpi sge, %add3A_152, %ge3A_153 : i32
      %convert_element_type3A_155 = arith.extui %ge3A_154 : i1 to i32
      %cond3A_156 = arith.constant 0 : i32
      %cond3A_157 = arith.cmpi ne, %convert_element_type3A_155, %cond3A_156 : i32
      scf.if %cond3A_157 {
        %sub3A = arith.constant 2 : i32
        %sub3A_183 = arith.subi %add3A_152, %sub3A : i32
        %dma_wait3A_184 = arith.constant 1 : i32
        %dma_wait3A_185 = arith.constant 0 : i32
        %dma_wait3A_186 = tpu.memref_slice %arg8[%sub3A_183, %dma_wait3A_185] : memref<92x112xi32, #tpu.memory_space<vmem>> -> memref<1x112xi32, #tpu.memory_space<vmem>>
        %dma_wait3A_187 = tpu.memref_squeeze %dma_wait3A_186 : memref<1x112xi32, #tpu.memory_space<vmem>> -> memref<112xi32, #tpu.memory_space<vmem>>
        %dma_wait3A_188 = arith.constant 0 : i32
        %dma_wait3A_189 = arith.constant 0 : i32
        %dma_wait3A_190 = tpu.memref_slice %arg14[%dma_wait3A_188, %dma_wait3A_189] : memref<10112x64xf32, #tpu.memory_space<vmem_shared>> -> memref<10112x64xf32, #tpu.memory_space<vmem_shared>>
        %dma_wait3A_191 = tpu.memref_slice %arg16[%dma_wait3A_184] : memref<4x!tpu.dma_semaphore, #tpu.memory_space<semaphore_mem>> -> memref<1x!tpu.dma_semaphore, #tpu.memory_space<semaphore_mem>>
        %dma_wait3A_192 = tpu.memref_squeeze %dma_wait3A_191 : memref<1x!tpu.dma_semaphore, #tpu.memory_space<semaphore_mem>> -> memref<!tpu.dma_semaphore, #tpu.memory_space<semaphore_mem>>
        tpu.wait_indirect_dma semaphore(%dma_wait3A_192 : memref<!tpu.dma_semaphore, #tpu.memory_space<semaphore_mem>>) src(%arg10 : memref<112x64xf32, #tpu.memory_space<vmem>>) dst(%dma_wait3A_190 : memref<10112x64xf32, #tpu.memory_space<vmem_shared>>)
      } else {
      }
      %add3A_158 = arith.constant 2 : i32
      %add3A_159 = arith.addi %add3A_152, %add3A_158 : i32
      %lt3A_160 = arith.constant 92 : i32
      %lt3A_161 = arith.cmpi slt, %add3A_159, %lt3A_160 : i32
      %convert_element_type3A_162 = arith.extui %lt3A_161 : i1 to i32
      %cond3A_163 = arith.constant 0 : i32
      %cond3A_164 = arith.cmpi ne, %convert_element_type3A_162, %cond3A_163 : i32
      scf.if %cond3A_164 {
        %add3A_183 = arith.constant 2 : i32
        %add3A_184 = arith.addi %add3A_152, %add3A_183 : i32
        %dma_start3A_185 = arith.constant 1 : i32
        %dma_start3A_186 = arith.constant 0 : i32
        %dma_start3A_187 = tpu.memref_slice %arg7[%add3A_184, %dma_start3A_186] : memref<92x112xi32, #tpu.memory_space<vmem>> -> memref<1x112xi32, #tpu.memory_space<vmem>>
        %dma_start3A_188 = tpu.memref_squeeze %dma_start3A_187 : memref<1x112xi32, #tpu.memory_space<vmem>> -> memref<112xi32, #tpu.memory_space<vmem>>
        %dma_start3A_189 = arith.constant 0 : i32
        %dma_start3A_190 = arith.constant 0 : i32
        %dma_start3A_191 = tpu.memref_slice %arg13[%dma_start3A_189, %dma_start3A_190] : memref<10112x64xf32, #tpu.memory_space<vmem_shared>> -> memref<10112x64xf32, #tpu.memory_space<vmem_shared>>
        %dma_start3A_192 = tpu.memref_slice %arg15[%dma_start3A_185] : memref<4x!tpu.dma_semaphore, #tpu.memory_space<semaphore_mem>> -> memref<1x!tpu.dma_semaphore, #tpu.memory_space<semaphore_mem>>
        %dma_start3A_193 = tpu.memref_squeeze %dma_start3A_192 : memref<1x!tpu.dma_semaphore, #tpu.memory_space<semaphore_mem>> -> memref<!tpu.dma_semaphore, #tpu.memory_space<semaphore_mem>>
        tpu.enqueue_indirect_dma source(%dma_start3A_191 : memref<10112x64xf32, #tpu.memory_space<vmem_shared>>) target(%arg10 : memref<112x64xf32, #tpu.memory_space<vmem>>) offsets(%dma_start3A_188 : memref<112xi32, #tpu.memory_space<vmem>>) semaphore(%dma_start3A_193 : memref<!tpu.dma_semaphore, #tpu.memory_space<semaphore_mem>>)
      } else {
      }
      %dma_wait3A_165 = arith.constant 3 : i32
      %dma_wait3A_166 = arith.constant 0 : i32
      %dma_wait3A_167 = tpu.memref_slice %arg7[%add3A_152, %dma_wait3A_166] : memref<92x112xi32, #tpu.memory_space<vmem>> -> memref<1x112xi32, #tpu.memory_space<vmem>>
      %dma_wait3A_168 = tpu.memref_squeeze %dma_wait3A_167 : memref<1x112xi32, #tpu.memory_space<vmem>> -> memref<112xi32, #tpu.memory_space<vmem>>
      %dma_wait3A_169 = arith.constant 0 : i32
      %dma_wait3A_170 = arith.constant 0 : i32
      %dma_wait3A_171 = tpu.memref_slice %arg13[%dma_wait3A_169, %dma_wait3A_170] : memref<10112x64xf32, #tpu.memory_space<vmem_shared>> -> memref<10112x64xf32, #tpu.memory_space<vmem_shared>>
      %dma_wait3A_172 = tpu.memref_slice %arg15[%dma_wait3A_165] : memref<4x!tpu.dma_semaphore, #tpu.memory_space<semaphore_mem>> -> memref<1x!tpu.dma_semaphore, #tpu.memory_space<semaphore_mem>>
      %dma_wait3A_173 = tpu.memref_squeeze %dma_wait3A_172 : memref<1x!tpu.dma_semaphore, #tpu.memory_space<semaphore_mem>> -> memref<!tpu.dma_semaphore, #tpu.memory_space<semaphore_mem>>
      tpu.wait_indirect_dma semaphore(%dma_wait3A_173 : memref<!tpu.dma_semaphore, #tpu.memory_space<semaphore_mem>>) src(%dma_wait3A_171 : memref<10112x64xf32, #tpu.memory_space<vmem_shared>>) dst(%arg12 : memref<112x64xf32, #tpu.memory_space<vmem>>)
      %dma_start3A_174 = arith.constant 3 : i32
      %dma_start3A_175 = arith.constant 0 : i32
      %dma_start3A_176 = tpu.memref_slice %arg8[%add3A_152, %dma_start3A_175] : memref<92x112xi32, #tpu.memory_space<vmem>> -> memref<1x112xi32, #tpu.memory_space<vmem>>
      %dma_start3A_177 = tpu.memref_squeeze %dma_start3A_176 : memref<1x112xi32, #tpu.memory_space<vmem>> -> memref<112xi32, #tpu.memory_space<vmem>>
      %dma_start3A_178 = arith.constant 0 : i32
      %dma_start3A_179 = arith.constant 0 : i32
      %dma_start3A_180 = tpu.memref_slice %arg14[%dma_start3A_178, %dma_start3A_179] : memref<10112x64xf32, #tpu.memory_space<vmem_shared>> -> memref<10112x64xf32, #tpu.memory_space<vmem_shared>>
      %dma_start3A_181 = tpu.memref_slice %arg16[%dma_start3A_174] : memref<4x!tpu.dma_semaphore, #tpu.memory_space<semaphore_mem>> -> memref<1x!tpu.dma_semaphore, #tpu.memory_space<semaphore_mem>>
      %dma_start3A_182 = tpu.memref_squeeze %dma_start3A_181 : memref<1x!tpu.dma_semaphore, #tpu.memory_space<semaphore_mem>> -> memref<!tpu.dma_semaphore, #tpu.memory_space<semaphore_mem>>
      tpu.enqueue_indirect_dma source(%arg12 : memref<112x64xf32, #tpu.memory_space<vmem>>) target(%dma_start3A_180 : memref<10112x64xf32, #tpu.memory_space<vmem_shared>>) offsets(%dma_start3A_177 : memref<112xi32, #tpu.memory_space<vmem>>) semaphore(%dma_start3A_182 : memref<!tpu.dma_semaphore, #tpu.memory_space<semaphore_mem>>) {add = true}
    }
    %scan3A_25 = arith.constant 23 : i32
    %dma_wait3A = arith.constant 90 : i32
    %dma_wait3A_26 = arith.constant 2 : i32
    %dma_wait3A_27 = arith.constant 0 : i32
    %dma_wait3A_28 = tpu.memref_slice %arg8[%dma_wait3A, %dma_wait3A_27] : memref<92x112xi32, #tpu.memory_space<vmem>> -> memref<1x112xi32, #tpu.memory_space<vmem>>
    %dma_wait3A_29 = tpu.memref_squeeze %dma_wait3A_28 : memref<1x112xi32, #tpu.memory_space<vmem>> -> memref<112xi32, #tpu.memory_space<vmem>>
    %dma_wait3A_30 = arith.constant 0 : i32
    %dma_wait3A_31 = arith.constant 0 : i32
    %dma_wait3A_32 = tpu.memref_slice %arg14[%dma_wait3A_30, %dma_wait3A_31] : memref<10112x64xf32, #tpu.memory_space<vmem_shared>> -> memref<10112x64xf32, #tpu.memory_space<vmem_shared>>
    %dma_wait3A_33 = tpu.memref_slice %arg16[%dma_wait3A_26] : memref<4x!tpu.dma_semaphore, #tpu.memory_space<semaphore_mem>> -> memref<1x!tpu.dma_semaphore, #tpu.memory_space<semaphore_mem>>
    %dma_wait3A_34 = tpu.memref_squeeze %dma_wait3A_33 : memref<1x!tpu.dma_semaphore, #tpu.memory_space<semaphore_mem>> -> memref<!tpu.dma_semaphore, #tpu.memory_space<semaphore_mem>>
    tpu.wait_indirect_dma semaphore(%dma_wait3A_34 : memref<!tpu.dma_semaphore, #tpu.memory_space<semaphore_mem>>) src(%arg11 : memref<112x64xf32, #tpu.memory_space<vmem>>) dst(%dma_wait3A_32 : memref<10112x64xf32, #tpu.memory_space<vmem_shared>>)
    %dma_wait3A_35 = arith.constant 91 : i32
    %dma_wait3A_36 = arith.constant 3 : i32
    %dma_wait3A_37 = arith.constant 0 : i32
    %dma_wait3A_38 = tpu.memref_slice %arg8[%dma_wait3A_35, %dma_wait3A_37] : memref<92x112xi32, #tpu.memory_space<vmem>> -> memref<1x112xi32, #tpu.memory_space<vmem>>
    %dma_wait3A_39 = tpu.memref_squeeze %dma_wait3A_38 : memref<1x112xi32, #tpu.memory_space<vmem>> -> memref<112xi32, #tpu.memory_space<vmem>>
    %dma_wait3A_40 = arith.constant 0 : i32
    %dma_wait3A_41 = arith.constant 0 : i32
    %dma_wait3A_42 = tpu.memref_slice %arg14[%dma_wait3A_40, %dma_wait3A_41] : memref<10112x64xf32, #tpu.memory_space<vmem_shared>> -> memref<10112x64xf32, #tpu.memory_space<vmem_shared>>
    %dma_wait3A_43 = tpu.memref_slice %arg16[%dma_wait3A_36] : memref<4x!tpu.dma_semaphore, #tpu.memory_space<semaphore_mem>> -> memref<1x!tpu.dma_semaphore, #tpu.memory_space<semaphore_mem>>
    %dma_wait3A_44 = tpu.memref_squeeze %dma_wait3A_43 : memref<1x!tpu.dma_semaphore, #tpu.memory_space<semaphore_mem>> -> memref<!tpu.dma_semaphore, #tpu.memory_space<semaphore_mem>>
    tpu.wait_indirect_dma semaphore(%dma_wait3A_44 : memref<!tpu.dma_semaphore, #tpu.memory_space<semaphore_mem>>) src(%arg12 : memref<112x64xf32, #tpu.memory_space<vmem>>) dst(%dma_wait3A_42 : memref<10112x64xf32, #tpu.memory_space<vmem_shared>>)
    %barrier3A_45 = arith.constant 0 : index
    tpu.barrier barrier_id(%barrier3A_45)
    "tpu.region"() ({
      %run_scoped3A = tpu.sem_alloc : memref<!tpu.dma_semaphore, #tpu.memory_space<semaphore_mem>>
      %dma_start3A_46 = arith.constant 0 : i32
      %dma_start3A_47 = tpu.memref_slice %arg6[%arg0, %multiple_of3A, %dma_start3A_46] : memref<2x10112x64xf32, #tpu.memory_space<hbm>> -> memref<1x632x64xf32, #tpu.memory_space<hbm>>
      %dma_start3A_48 = tpu.memref_squeeze %dma_start3A_47 : memref<1x632x64xf32, #tpu.memory_space<hbm>> -> memref<632x64xf32, #tpu.memory_space<hbm>>
      %dma_start3A_49 = arith.constant 0 : i32
      %dma_start3A_50 = tpu.memref_slice %arg14[%multiple_of3A, %dma_start3A_49] : memref<10112x64xf32, #tpu.memory_space<vmem_shared>> -> memref<632x64xf32, #tpu.memory_space<vmem_shared>>
      tpu.enqueue_dma source(%dma_start3A_50 : memref<632x64xf32, #tpu.memory_space<vmem_shared>>) target(%dma_start3A_48 : memref<632x64xf32, #tpu.memory_space<hbm>>) target_semaphore(%run_scoped3A : memref<!tpu.dma_semaphore, #tpu.memory_space<semaphore_mem>>)
      %dma_wait3A_51 = arith.constant 0 : i32
      %dma_wait3A_52 = tpu.memref_slice %arg6[%arg0, %multiple_of3A, %dma_wait3A_51] : memref<2x10112x64xf32, #tpu.memory_space<hbm>> -> memref<1x632x64xf32, #tpu.memory_space<hbm>>
      %dma_wait3A_53 = tpu.memref_squeeze %dma_wait3A_52 : memref<1x632x64xf32, #tpu.memory_space<hbm>> -> memref<632x64xf32, #tpu.memory_space<hbm>>
      %dma_wait3A_54 = arith.constant 0 : i32
      %dma_wait3A_55 = tpu.memref_slice %arg14[%multiple_of3A, %dma_wait3A_54] : memref<10112x64xf32, #tpu.memory_space<vmem_shared>> -> memref<632x64xf32, #tpu.memory_space<vmem_shared>>
      tpu.wait_dma2 semaphore(%run_scoped3A : memref<!tpu.dma_semaphore, #tpu.memory_space<semaphore_mem>>) src(%dma_wait3A_55 : memref<632x64xf32, #tpu.memory_space<vmem_shared>>) dst(%dma_wait3A_53 : memref<632x64xf32, #tpu.memory_space<hbm>>)
      tpu.yield
    }) : () -> ()
    return
  }
}

#map = affine_map<(d0, d1) -> (0, 0)>
#map1 = affine_map<(d0, d1) -> (0, 0, 0)>
module attributes {stable_mosaic.version = 14 : i64} {
  func.func @hop_kernel(%arg0: i32, %arg1: i32, %arg2: memref<10112x64xf32, #tpu.memory_space<hbm>>, %arg3: memref<32x92x112xi32, #tpu.memory_space<hbm>>, %arg4: memref<32x92x112xi32, #tpu.memory_space<hbm>>, %arg5: memref<10112x64xf32, #tpu.memory_space<hbm>>, %arg6: memref<2x10112x64xf32, #tpu.memory_space<hbm>>, %arg7: memref<92x112xi32, #tpu.memory_space<vmem>>, %arg8: memref<92x112xi32, #tpu.memory_space<vmem>>, %arg9: memref<112x64xf32, #tpu.memory_space<vmem>>, %arg10: memref<112x64xf32, #tpu.memory_space<vmem>>, %arg11: memref<112x64xf32, #tpu.memory_space<vmem>>, %arg12: memref<112x64xf32, #tpu.memory_space<vmem>>, %arg13: memref<10112x64xf32, #tpu.memory_space<vmem_shared>>, %arg14: memref<10112x64xf32, #tpu.memory_space<vmem_shared>>, %arg15: memref<4x!tpu.dma_semaphore, #tpu.memory_space<semaphore_mem>>, %arg16: memref<4x!tpu.dma_semaphore, #tpu.memory_space<semaphore_mem>>) attributes {dimension_semantics = [#tpu.dimension_semantics<core_parallel>, #tpu.dimension_semantics<subcore_parallel>], iteration_bounds = array<i64: 2, 16>, scalar_prefetch = 0 : i64, scratch_operands = 10 : i64, tpu.core_type = #tpu.core_type<sc_vector_subcore>, window_params = [{transform_indices = #map}, {transform_indices = #map1}, {transform_indices = #map1}, {transform_indices = #map}, {transform_indices = #map1}]} {
    %mul3A = arith.constant 16 : i32
    %mul3A_0 = arith.muli %arg0, %mul3A : i32
    %add3A = arith.addi %mul3A_0, %arg1 : i32
    %mul3A_1 = arith.constant 632 : i32
    %mul3A_2 = arith.muli %arg1, %mul3A_1 : i32
    %multiple_of3A = tpu.assume_multiple %mul3A_2, 8 : i32
    "tpu.region"() ({
      %run_scoped3A = tpu.sem_alloc : memref<!tpu.dma_semaphore, #tpu.memory_space<semaphore_mem>>
      %dma_start3A_46 = arith.constant 0 : i32
      %dma_start3A_47 = tpu.memref_slice %arg14[%multiple_of3A, %dma_start3A_46] : memref<10112x64xf32, #tpu.memory_space<vmem_shared>> -> memref<632x64xf32, #tpu.memory_space<vmem_shared>>
      %dma_start3A_48 = arith.constant 0 : i32
      %dma_start3A_49 = tpu.memref_slice %arg5[%multiple_of3A, %dma_start3A_48] : memref<10112x64xf32, #tpu.memory_space<hbm>> -> memref<632x64xf32, #tpu.memory_space<hbm>>
      tpu.enqueue_dma source(%dma_start3A_49 : memref<632x64xf32, #tpu.memory_space<hbm>>) target(%dma_start3A_47 : memref<632x64xf32, #tpu.memory_space<vmem_shared>>) target_semaphore(%run_scoped3A : memref<!tpu.dma_semaphore, #tpu.memory_space<semaphore_mem>>)
      %dma_wait3A_50 = arith.constant 0 : i32
      %dma_wait3A_51 = tpu.memref_slice %arg14[%multiple_of3A, %dma_wait3A_50] : memref<10112x64xf32, #tpu.memory_space<vmem_shared>> -> memref<632x64xf32, #tpu.memory_space<vmem_shared>>
      %dma_wait3A_52 = arith.constant 0 : i32
      %dma_wait3A_53 = tpu.memref_slice %arg5[%multiple_of3A, %dma_wait3A_52] : memref<10112x64xf32, #tpu.memory_space<hbm>> -> memref<632x64xf32, #tpu.memory_space<hbm>>
      tpu.wait_dma2 semaphore(%run_scoped3A : memref<!tpu.dma_semaphore, #tpu.memory_space<semaphore_mem>>) src(%dma_wait3A_53 : memref<632x64xf32, #tpu.memory_space<hbm>>) dst(%dma_wait3A_51 : memref<632x64xf32, #tpu.memory_space<vmem_shared>>)
      tpu.yield
    }) : () -> ()
    "tpu.region"() ({
      %run_scoped3A = tpu.sem_alloc : memref<!tpu.dma_semaphore, #tpu.memory_space<semaphore_mem>>
      %dma_start3A_46 = arith.constant 0 : i32
      %dma_start3A_47 = tpu.memref_slice %arg13[%multiple_of3A, %dma_start3A_46] : memref<10112x64xf32, #tpu.memory_space<vmem_shared>> -> memref<632x64xf32, #tpu.memory_space<vmem_shared>>
      %dma_start3A_48 = arith.constant 0 : i32
      %dma_start3A_49 = tpu.memref_slice %arg2[%multiple_of3A, %dma_start3A_48] : memref<10112x64xf32, #tpu.memory_space<hbm>> -> memref<632x64xf32, #tpu.memory_space<hbm>>
      tpu.enqueue_dma source(%dma_start3A_49 : memref<632x64xf32, #tpu.memory_space<hbm>>) target(%dma_start3A_47 : memref<632x64xf32, #tpu.memory_space<vmem_shared>>) target_semaphore(%run_scoped3A : memref<!tpu.dma_semaphore, #tpu.memory_space<semaphore_mem>>)
      %dma_wait3A_50 = arith.constant 0 : i32
      %dma_wait3A_51 = tpu.memref_slice %arg13[%multiple_of3A, %dma_wait3A_50] : memref<10112x64xf32, #tpu.memory_space<vmem_shared>> -> memref<632x64xf32, #tpu.memory_space<vmem_shared>>
      %dma_wait3A_52 = arith.constant 0 : i32
      %dma_wait3A_53 = tpu.memref_slice %arg2[%multiple_of3A, %dma_wait3A_52] : memref<10112x64xf32, #tpu.memory_space<hbm>> -> memref<632x64xf32, #tpu.memory_space<hbm>>
      tpu.wait_dma2 semaphore(%run_scoped3A : memref<!tpu.dma_semaphore, #tpu.memory_space<semaphore_mem>>) src(%dma_wait3A_53 : memref<632x64xf32, #tpu.memory_space<hbm>>) dst(%dma_wait3A_51 : memref<632x64xf32, #tpu.memory_space<vmem_shared>>)
      tpu.yield
    }) : () -> ()
    "tpu.region"() ({
      %run_scoped3A = tpu.sem_alloc : memref<!tpu.dma_semaphore, #tpu.memory_space<semaphore_mem>>
      %dma_start3A_46 = arith.constant 0 : i32
      %dma_start3A_47 = arith.constant 0 : i32
      %dma_start3A_48 = tpu.memref_slice %arg3[%add3A, %dma_start3A_46, %dma_start3A_47] : memref<32x92x112xi32, #tpu.memory_space<hbm>> -> memref<1x92x112xi32, #tpu.memory_space<hbm>>
      %dma_start3A_49 = tpu.memref_squeeze %dma_start3A_48 : memref<1x92x112xi32, #tpu.memory_space<hbm>> -> memref<92x112xi32, #tpu.memory_space<hbm>>
      %dma_start3A_50 = arith.constant 0 : i32
      %dma_start3A_51 = arith.constant 0 : i32
      %dma_start3A_52 = tpu.memref_slice %arg3[%add3A, %dma_start3A_50, %dma_start3A_51] : memref<32x92x112xi32, #tpu.memory_space<hbm>> -> memref<1x92x112xi32, #tpu.memory_space<hbm>>
      %dma_start3A_53 = tpu.memref_squeeze %dma_start3A_52 : memref<1x92x112xi32, #tpu.memory_space<hbm>> -> memref<92x112xi32, #tpu.memory_space<hbm>>
      tpu.enqueue_dma source(%dma_start3A_53 : memref<92x112xi32, #tpu.memory_space<hbm>>) target(%arg7 : memref<92x112xi32, #tpu.memory_space<vmem>>) target_semaphore(%run_scoped3A : memref<!tpu.dma_semaphore, #tpu.memory_space<semaphore_mem>>)
      %dma_wait3A_54 = arith.constant 0 : i32
      %dma_wait3A_55 = arith.constant 0 : i32
      %dma_wait3A_56 = tpu.memref_slice %arg3[%add3A, %dma_wait3A_54, %dma_wait3A_55] : memref<32x92x112xi32, #tpu.memory_space<hbm>> -> memref<1x92x112xi32, #tpu.memory_space<hbm>>
      %dma_wait3A_57 = tpu.memref_squeeze %dma_wait3A_56 : memref<1x92x112xi32, #tpu.memory_space<hbm>> -> memref<92x112xi32, #tpu.memory_space<hbm>>
      %dma_wait3A_58 = arith.constant 0 : i32
      %dma_wait3A_59 = arith.constant 0 : i32
      %dma_wait3A_60 = tpu.memref_slice %arg3[%add3A, %dma_wait3A_58, %dma_wait3A_59] : memref<32x92x112xi32, #tpu.memory_space<hbm>> -> memref<1x92x112xi32, #tpu.memory_space<hbm>>
      %dma_wait3A_61 = tpu.memref_squeeze %dma_wait3A_60 : memref<1x92x112xi32, #tpu.memory_space<hbm>> -> memref<92x112xi32, #tpu.memory_space<hbm>>
      tpu.wait_dma2 semaphore(%run_scoped3A : memref<!tpu.dma_semaphore, #tpu.memory_space<semaphore_mem>>) src(%dma_wait3A_61 : memref<92x112xi32, #tpu.memory_space<hbm>>) dst(%arg7 : memref<92x112xi32, #tpu.memory_space<vmem>>)
      tpu.yield
    }) : () -> ()
    "tpu.region"() ({
      %run_scoped3A = tpu.sem_alloc : memref<!tpu.dma_semaphore, #tpu.memory_space<semaphore_mem>>
      %dma_start3A_46 = arith.constant 0 : i32
      %dma_start3A_47 = arith.constant 0 : i32
      %dma_start3A_48 = tpu.memref_slice %arg4[%add3A, %dma_start3A_46, %dma_start3A_47] : memref<32x92x112xi32, #tpu.memory_space<hbm>> -> memref<1x92x112xi32, #tpu.memory_space<hbm>>
      %dma_start3A_49 = tpu.memref_squeeze %dma_start3A_48 : memref<1x92x112xi32, #tpu.memory_space<hbm>> -> memref<92x112xi32, #tpu.memory_space<hbm>>
      %dma_start3A_50 = arith.constant 0 : i32
      %dma_start3A_51 = arith.constant 0 : i32
      %dma_start3A_52 = tpu.memref_slice %arg4[%add3A, %dma_start3A_50, %dma_start3A_51] : memref<32x92x112xi32, #tpu.memory_space<hbm>> -> memref<1x92x112xi32, #tpu.memory_space<hbm>>
      %dma_start3A_53 = tpu.memref_squeeze %dma_start3A_52 : memref<1x92x112xi32, #tpu.memory_space<hbm>> -> memref<92x112xi32, #tpu.memory_space<hbm>>
      tpu.enqueue_dma source(%dma_start3A_53 : memref<92x112xi32, #tpu.memory_space<hbm>>) target(%arg8 : memref<92x112xi32, #tpu.memory_space<vmem>>) target_semaphore(%run_scoped3A : memref<!tpu.dma_semaphore, #tpu.memory_space<semaphore_mem>>)
      %dma_wait3A_54 = arith.constant 0 : i32
      %dma_wait3A_55 = arith.constant 0 : i32
      %dma_wait3A_56 = tpu.memref_slice %arg4[%add3A, %dma_wait3A_54, %dma_wait3A_55] : memref<32x92x112xi32, #tpu.memory_space<hbm>> -> memref<1x92x112xi32, #tpu.memory_space<hbm>>
      %dma_wait3A_57 = tpu.memref_squeeze %dma_wait3A_56 : memref<1x92x112xi32, #tpu.memory_space<hbm>> -> memref<92x112xi32, #tpu.memory_space<hbm>>
      %dma_wait3A_58 = arith.constant 0 : i32
      %dma_wait3A_59 = arith.constant 0 : i32
      %dma_wait3A_60 = tpu.memref_slice %arg4[%add3A, %dma_wait3A_58, %dma_wait3A_59] : memref<32x92x112xi32, #tpu.memory_space<hbm>> -> memref<1x92x112xi32, #tpu.memory_space<hbm>>
      %dma_wait3A_61 = tpu.memref_squeeze %dma_wait3A_60 : memref<1x92x112xi32, #tpu.memory_space<hbm>> -> memref<92x112xi32, #tpu.memory_space<hbm>>
      tpu.wait_dma2 semaphore(%run_scoped3A : memref<!tpu.dma_semaphore, #tpu.memory_space<semaphore_mem>>) src(%dma_wait3A_61 : memref<92x112xi32, #tpu.memory_space<hbm>>) dst(%arg8 : memref<92x112xi32, #tpu.memory_space<vmem>>)
      tpu.yield
    }) : () -> ()
    %barrier3A = arith.constant 0 : index
    tpu.barrier barrier_id(%barrier3A)
    %dma_start3A = arith.constant 0 : i32
    %dma_start3A_3 = arith.constant 0 : i32
    %dma_start3A_4 = arith.constant 0 : i32
    %dma_start3A_5 = tpu.memref_slice %arg7[%dma_start3A, %dma_start3A_4] : memref<92x112xi32, #tpu.memory_space<vmem>> -> memref<1x112xi32, #tpu.memory_space<vmem>>
    %dma_start3A_6 = tpu.memref_squeeze %dma_start3A_5 : memref<1x112xi32, #tpu.memory_space<vmem>> -> memref<112xi32, #tpu.memory_space<vmem>>
    %dma_start3A_7 = arith.constant 0 : i32
    %dma_start3A_8 = arith.constant 0 : i32
    %dma_start3A_9 = tpu.memref_slice %arg13[%dma_start3A_7, %dma_start3A_8] : memref<10112x64xf32, #tpu.memory_space<vmem_shared>> -> memref<10112x64xf32, #tpu.memory_space<vmem_shared>>
    %dma_start3A_10 = tpu.memref_slice %arg15[%dma_start3A_3] : memref<4x!tpu.dma_semaphore, #tpu.memory_space<semaphore_mem>> -> memref<1x!tpu.dma_semaphore, #tpu.memory_space<semaphore_mem>>
    %dma_start3A_11 = tpu.memref_squeeze %dma_start3A_10 : memref<1x!tpu.dma_semaphore, #tpu.memory_space<semaphore_mem>> -> memref<!tpu.dma_semaphore, #tpu.memory_space<semaphore_mem>>
    tpu.enqueue_indirect_dma source(%dma_start3A_9 : memref<10112x64xf32, #tpu.memory_space<vmem_shared>>) target(%arg9 : memref<112x64xf32, #tpu.memory_space<vmem>>) offsets(%dma_start3A_6 : memref<112xi32, #tpu.memory_space<vmem>>) semaphore(%dma_start3A_11 : memref<!tpu.dma_semaphore, #tpu.memory_space<semaphore_mem>>)
    %dma_start3A_12 = arith.constant 1 : i32
    %dma_start3A_13 = arith.constant 1 : i32
    %dma_start3A_14 = arith.constant 0 : i32
    %dma_start3A_15 = tpu.memref_slice %arg7[%dma_start3A_12, %dma_start3A_14] : memref<92x112xi32, #tpu.memory_space<vmem>> -> memref<1x112xi32, #tpu.memory_space<vmem>>
    %dma_start3A_16 = tpu.memref_squeeze %dma_start3A_15 : memref<1x112xi32, #tpu.memory_space<vmem>> -> memref<112xi32, #tpu.memory_space<vmem>>
    %dma_start3A_17 = arith.constant 0 : i32
    %dma_start3A_18 = arith.constant 0 : i32
    %dma_start3A_19 = tpu.memref_slice %arg13[%dma_start3A_17, %dma_start3A_18] : memref<10112x64xf32, #tpu.memory_space<vmem_shared>> -> memref<10112x64xf32, #tpu.memory_space<vmem_shared>>
    %dma_start3A_20 = tpu.memref_slice %arg15[%dma_start3A_13] : memref<4x!tpu.dma_semaphore, #tpu.memory_space<semaphore_mem>> -> memref<1x!tpu.dma_semaphore, #tpu.memory_space<semaphore_mem>>
    %dma_start3A_21 = tpu.memref_squeeze %dma_start3A_20 : memref<1x!tpu.dma_semaphore, #tpu.memory_space<semaphore_mem>> -> memref<!tpu.dma_semaphore, #tpu.memory_space<semaphore_mem>>
    tpu.enqueue_indirect_dma source(%dma_start3A_19 : memref<10112x64xf32, #tpu.memory_space<vmem_shared>>) target(%arg10 : memref<112x64xf32, #tpu.memory_space<vmem>>) offsets(%dma_start3A_16 : memref<112xi32, #tpu.memory_space<vmem>>) semaphore(%dma_start3A_21 : memref<!tpu.dma_semaphore, #tpu.memory_space<semaphore_mem>>)
    %scan3A = arith.constant 0 : i32
    %scan3A_22 = arith.constant 23 : i32
    %scan3A_23 = arith.addi %scan3A, %scan3A_22 : i32
    %scan3A_24 = arith.constant 1 : i32
    scf.for %scan3A_46 = %scan3A to %scan3A_23 step %scan3A_24  : i32 {
      %mul3A_47 = arith.constant 1 : i32
      %mul3A_48 = arith.muli %scan3A_46, %mul3A_47 : i32
      %add3A_49 = arith.constant 0 : i32
      %add3A_50 = arith.addi %add3A_49, %mul3A_48 : i32
      %mul3A_51 = arith.constant 4 : i32
      %mul3A_52 = arith.muli %add3A_50, %mul3A_51 : i32
      %add3A_53 = arith.constant 0 : i32
      %add3A_54 = arith.addi %mul3A_52, %add3A_53 : i32
      %ge3A = arith.constant 2 : i32
      %ge3A_55 = arith.cmpi sge, %add3A_54, %ge3A : i32
      %convert_element_type3A = arith.extui %ge3A_55 : i1 to i32
      %cond3A = arith.constant 0 : i32
      %cond3A_56 = arith.cmpi ne, %convert_element_type3A, %cond3A : i32
      scf.if %cond3A_56 {
        %sub3A = arith.constant 2 : i32
        %sub3A_183 = arith.subi %add3A_54, %sub3A : i32
        %dma_wait3A_184 = arith.constant 2 : i32
        %dma_wait3A_185 = arith.constant 0 : i32
        %dma_wait3A_186 = tpu.memref_slice %arg8[%sub3A_183, %dma_wait3A_185] : memref<92x112xi32, #tpu.memory_space<vmem>> -> memref<1x112xi32, #tpu.memory_space<vmem>>
        %dma_wait3A_187 = tpu.memref_squeeze %dma_wait3A_186 : memref<1x112xi32, #tpu.memory_space<vmem>> -> memref<112xi32, #tpu.memory_space<vmem>>
        %dma_wait3A_188 = arith.constant 0 : i32
        %dma_wait3A_189 = arith.constant 0 : i32
        %dma_wait3A_190 = tpu.memref_slice %arg14[%dma_wait3A_188, %dma_wait3A_189] : memref<10112x64xf32, #tpu.memory_space<vmem_shared>> -> memref<10112x64xf32, #tpu.memory_space<vmem_shared>>
        %dma_wait3A_191 = tpu.memref_slice %arg16[%dma_wait3A_184] : memref<4x!tpu.dma_semaphore, #tpu.memory_space<semaphore_mem>> -> memref<1x!tpu.dma_semaphore, #tpu.memory_space<semaphore_mem>>
        %dma_wait3A_192 = tpu.memref_squeeze %dma_wait3A_191 : memref<1x!tpu.dma_semaphore, #tpu.memory_space<semaphore_mem>> -> memref<!tpu.dma_semaphore, #tpu.memory_space<semaphore_mem>>
        tpu.wait_indirect_dma semaphore(%dma_wait3A_192 : memref<!tpu.dma_semaphore, #tpu.memory_space<semaphore_mem>>) src(%arg11 : memref<112x64xf32, #tpu.memory_space<vmem>>) dst(%dma_wait3A_190 : memref<10112x64xf32, #tpu.memory_space<vmem_shared>>)
      } else {
      }
      %add3A_57 = arith.constant 2 : i32
      %add3A_58 = arith.addi %add3A_54, %add3A_57 : i32
      %lt3A = arith.constant 92 : i32
      %lt3A_59 = arith.cmpi slt, %add3A_58, %lt3A : i32
      %convert_element_type3A_60 = arith.extui %lt3A_59 : i1 to i32
      %cond3A_61 = arith.constant 0 : i32
      %cond3A_62 = arith.cmpi ne, %convert_element_type3A_60, %cond3A_61 : i32
      scf.if %cond3A_62 {
        %add3A_183 = arith.constant 2 : i32
        %add3A_184 = arith.addi %add3A_54, %add3A_183 : i32
        %dma_start3A_185 = arith.constant 2 : i32
        %dma_start3A_186 = arith.constant 0 : i32
        %dma_start3A_187 = tpu.memref_slice %arg7[%add3A_184, %dma_start3A_186] : memref<92x112xi32, #tpu.memory_space<vmem>> -> memref<1x112xi32, #tpu.memory_space<vmem>>
        %dma_start3A_188 = tpu.memref_squeeze %dma_start3A_187 : memref<1x112xi32, #tpu.memory_space<vmem>> -> memref<112xi32, #tpu.memory_space<vmem>>
        %dma_start3A_189 = arith.constant 0 : i32
        %dma_start3A_190 = arith.constant 0 : i32
        %dma_start3A_191 = tpu.memref_slice %arg13[%dma_start3A_189, %dma_start3A_190] : memref<10112x64xf32, #tpu.memory_space<vmem_shared>> -> memref<10112x64xf32, #tpu.memory_space<vmem_shared>>
        %dma_start3A_192 = tpu.memref_slice %arg15[%dma_start3A_185] : memref<4x!tpu.dma_semaphore, #tpu.memory_space<semaphore_mem>> -> memref<1x!tpu.dma_semaphore, #tpu.memory_space<semaphore_mem>>
        %dma_start3A_193 = tpu.memref_squeeze %dma_start3A_192 : memref<1x!tpu.dma_semaphore, #tpu.memory_space<semaphore_mem>> -> memref<!tpu.dma_semaphore, #tpu.memory_space<semaphore_mem>>
        tpu.enqueue_indirect_dma source(%dma_start3A_191 : memref<10112x64xf32, #tpu.memory_space<vmem_shared>>) target(%arg11 : memref<112x64xf32, #tpu.memory_space<vmem>>) offsets(%dma_start3A_188 : memref<112xi32, #tpu.memory_space<vmem>>) semaphore(%dma_start3A_193 : memref<!tpu.dma_semaphore, #tpu.memory_space<semaphore_mem>>)
      } else {
      }
      %dma_wait3A_63 = arith.constant 0 : i32
      %dma_wait3A_64 = arith.constant 0 : i32
      %dma_wait3A_65 = tpu.memref_slice %arg7[%add3A_54, %dma_wait3A_64] : memref<92x112xi32, #tpu.memory_space<vmem>> -> memref<1x112xi32, #tpu.memory_space<vmem>>
      %dma_wait3A_66 = tpu.memref_squeeze %dma_wait3A_65 : memref<1x112xi32, #tpu.memory_space<vmem>> -> memref<112xi32, #tpu.memory_space<vmem>>
      %dma_wait3A_67 = arith.constant 0 : i32
      %dma_wait3A_68 = arith.constant 0 : i32
      %dma_wait3A_69 = tpu.memref_slice %arg13[%dma_wait3A_67, %dma_wait3A_68] : memref<10112x64xf32, #tpu.memory_space<vmem_shared>> -> memref<10112x64xf32, #tpu.memory_space<vmem_shared>>
      %dma_wait3A_70 = tpu.memref_slice %arg15[%dma_wait3A_63] : memref<4x!tpu.dma_semaphore, #tpu.memory_space<semaphore_mem>> -> memref<1x!tpu.dma_semaphore, #tpu.memory_space<semaphore_mem>>
      %dma_wait3A_71 = tpu.memref_squeeze %dma_wait3A_70 : memref<1x!tpu.dma_semaphore, #tpu.memory_space<semaphore_mem>> -> memref<!tpu.dma_semaphore, #tpu.memory_space<semaphore_mem>>
      tpu.wait_indirect_dma semaphore(%dma_wait3A_71 : memref<!tpu.dma_semaphore, #tpu.memory_space<semaphore_mem>>) src(%dma_wait3A_69 : memref<10112x64xf32, #tpu.memory_space<vmem_shared>>) dst(%arg9 : memref<112x64xf32, #tpu.memory_space<vmem>>)
      %dma_start3A_72 = arith.constant 0 : i32
      %dma_start3A_73 = arith.constant 0 : i32
      %dma_start3A_74 = tpu.memref_slice %arg8[%add3A_54, %dma_start3A_73] : memref<92x112xi32, #tpu.memory_space<vmem>> -> memref<1x112xi32, #tpu.memory_space<vmem>>
      %dma_start3A_75 = tpu.memref_squeeze %dma_start3A_74 : memref<1x112xi32, #tpu.memory_space<vmem>> -> memref<112xi32, #tpu.memory_space<vmem>>
      %dma_start3A_76 = arith.constant 0 : i32
      %dma_start3A_77 = arith.constant 0 : i32
      %dma_start3A_78 = tpu.memref_slice %arg14[%dma_start3A_76, %dma_start3A_77] : memref<10112x64xf32, #tpu.memory_space<vmem_shared>> -> memref<10112x64xf32, #tpu.memory_space<vmem_shared>>
      %dma_start3A_79 = tpu.memref_slice %arg16[%dma_start3A_72] : memref<4x!tpu.dma_semaphore, #tpu.memory_space<semaphore_mem>> -> memref<1x!tpu.dma_semaphore, #tpu.memory_space<semaphore_mem>>
      %dma_start3A_80 = tpu.memref_squeeze %dma_start3A_79 : memref<1x!tpu.dma_semaphore, #tpu.memory_space<semaphore_mem>> -> memref<!tpu.dma_semaphore, #tpu.memory_space<semaphore_mem>>
      tpu.enqueue_indirect_dma source(%arg9 : memref<112x64xf32, #tpu.memory_space<vmem>>) target(%dma_start3A_78 : memref<10112x64xf32, #tpu.memory_space<vmem_shared>>) offsets(%dma_start3A_75 : memref<112xi32, #tpu.memory_space<vmem>>) semaphore(%dma_start3A_80 : memref<!tpu.dma_semaphore, #tpu.memory_space<semaphore_mem>>) {add = true}
      %mul3A_81 = arith.constant 4 : i32
      %mul3A_82 = arith.muli %add3A_50, %mul3A_81 : i32
      %add3A_83 = arith.constant 1 : i32
      %add3A_84 = arith.addi %mul3A_82, %add3A_83 : i32
      %ge3A_85 = arith.constant 2 : i32
      %ge3A_86 = arith.cmpi sge, %add3A_84, %ge3A_85 : i32
      %convert_element_type3A_87 = arith.extui %ge3A_86 : i1 to i32
      %cond3A_88 = arith.constant 0 : i32
      %cond3A_89 = arith.cmpi ne, %convert_element_type3A_87, %cond3A_88 : i32
      scf.if %cond3A_89 {
        %sub3A = arith.constant 2 : i32
        %sub3A_183 = arith.subi %add3A_84, %sub3A : i32
        %dma_wait3A_184 = arith.constant 3 : i32
        %dma_wait3A_185 = arith.constant 0 : i32
        %dma_wait3A_186 = tpu.memref_slice %arg8[%sub3A_183, %dma_wait3A_185] : memref<92x112xi32, #tpu.memory_space<vmem>> -> memref<1x112xi32, #tpu.memory_space<vmem>>
        %dma_wait3A_187 = tpu.memref_squeeze %dma_wait3A_186 : memref<1x112xi32, #tpu.memory_space<vmem>> -> memref<112xi32, #tpu.memory_space<vmem>>
        %dma_wait3A_188 = arith.constant 0 : i32
        %dma_wait3A_189 = arith.constant 0 : i32
        %dma_wait3A_190 = tpu.memref_slice %arg14[%dma_wait3A_188, %dma_wait3A_189] : memref<10112x64xf32, #tpu.memory_space<vmem_shared>> -> memref<10112x64xf32, #tpu.memory_space<vmem_shared>>
        %dma_wait3A_191 = tpu.memref_slice %arg16[%dma_wait3A_184] : memref<4x!tpu.dma_semaphore, #tpu.memory_space<semaphore_mem>> -> memref<1x!tpu.dma_semaphore, #tpu.memory_space<semaphore_mem>>
        %dma_wait3A_192 = tpu.memref_squeeze %dma_wait3A_191 : memref<1x!tpu.dma_semaphore, #tpu.memory_space<semaphore_mem>> -> memref<!tpu.dma_semaphore, #tpu.memory_space<semaphore_mem>>
        tpu.wait_indirect_dma semaphore(%dma_wait3A_192 : memref<!tpu.dma_semaphore, #tpu.memory_space<semaphore_mem>>) src(%arg12 : memref<112x64xf32, #tpu.memory_space<vmem>>) dst(%dma_wait3A_190 : memref<10112x64xf32, #tpu.memory_space<vmem_shared>>)
      } else {
      }
      %add3A_90 = arith.constant 2 : i32
      %add3A_91 = arith.addi %add3A_84, %add3A_90 : i32
      %lt3A_92 = arith.constant 92 : i32
      %lt3A_93 = arith.cmpi slt, %add3A_91, %lt3A_92 : i32
      %convert_element_type3A_94 = arith.extui %lt3A_93 : i1 to i32
      %cond3A_95 = arith.constant 0 : i32
      %cond3A_96 = arith.cmpi ne, %convert_element_type3A_94, %cond3A_95 : i32
      scf.if %cond3A_96 {
        %add3A_183 = arith.constant 2 : i32
        %add3A_184 = arith.addi %add3A_84, %add3A_183 : i32
        %dma_start3A_185 = arith.constant 3 : i32
        %dma_start3A_186 = arith.constant 0 : i32
        %dma_start3A_187 = tpu.memref_slice %arg7[%add3A_184, %dma_start3A_186] : memref<92x112xi32, #tpu.memory_space<vmem>> -> memref<1x112xi32, #tpu.memory_space<vmem>>
        %dma_start3A_188 = tpu.memref_squeeze %dma_start3A_187 : memref<1x112xi32, #tpu.memory_space<vmem>> -> memref<112xi32, #tpu.memory_space<vmem>>
        %dma_start3A_189 = arith.constant 0 : i32
        %dma_start3A_190 = arith.constant 0 : i32
        %dma_start3A_191 = tpu.memref_slice %arg13[%dma_start3A_189, %dma_start3A_190] : memref<10112x64xf32, #tpu.memory_space<vmem_shared>> -> memref<10112x64xf32, #tpu.memory_space<vmem_shared>>
        %dma_start3A_192 = tpu.memref_slice %arg15[%dma_start3A_185] : memref<4x!tpu.dma_semaphore, #tpu.memory_space<semaphore_mem>> -> memref<1x!tpu.dma_semaphore, #tpu.memory_space<semaphore_mem>>
        %dma_start3A_193 = tpu.memref_squeeze %dma_start3A_192 : memref<1x!tpu.dma_semaphore, #tpu.memory_space<semaphore_mem>> -> memref<!tpu.dma_semaphore, #tpu.memory_space<semaphore_mem>>
        tpu.enqueue_indirect_dma source(%dma_start3A_191 : memref<10112x64xf32, #tpu.memory_space<vmem_shared>>) target(%arg12 : memref<112x64xf32, #tpu.memory_space<vmem>>) offsets(%dma_start3A_188 : memref<112xi32, #tpu.memory_space<vmem>>) semaphore(%dma_start3A_193 : memref<!tpu.dma_semaphore, #tpu.memory_space<semaphore_mem>>)
      } else {
      }
      %dma_wait3A_97 = arith.constant 1 : i32
      %dma_wait3A_98 = arith.constant 0 : i32
      %dma_wait3A_99 = tpu.memref_slice %arg7[%add3A_84, %dma_wait3A_98] : memref<92x112xi32, #tpu.memory_space<vmem>> -> memref<1x112xi32, #tpu.memory_space<vmem>>
      %dma_wait3A_100 = tpu.memref_squeeze %dma_wait3A_99 : memref<1x112xi32, #tpu.memory_space<vmem>> -> memref<112xi32, #tpu.memory_space<vmem>>
      %dma_wait3A_101 = arith.constant 0 : i32
      %dma_wait3A_102 = arith.constant 0 : i32
      %dma_wait3A_103 = tpu.memref_slice %arg13[%dma_wait3A_101, %dma_wait3A_102] : memref<10112x64xf32, #tpu.memory_space<vmem_shared>> -> memref<10112x64xf32, #tpu.memory_space<vmem_shared>>
      %dma_wait3A_104 = tpu.memref_slice %arg15[%dma_wait3A_97] : memref<4x!tpu.dma_semaphore, #tpu.memory_space<semaphore_mem>> -> memref<1x!tpu.dma_semaphore, #tpu.memory_space<semaphore_mem>>
      %dma_wait3A_105 = tpu.memref_squeeze %dma_wait3A_104 : memref<1x!tpu.dma_semaphore, #tpu.memory_space<semaphore_mem>> -> memref<!tpu.dma_semaphore, #tpu.memory_space<semaphore_mem>>
      tpu.wait_indirect_dma semaphore(%dma_wait3A_105 : memref<!tpu.dma_semaphore, #tpu.memory_space<semaphore_mem>>) src(%dma_wait3A_103 : memref<10112x64xf32, #tpu.memory_space<vmem_shared>>) dst(%arg10 : memref<112x64xf32, #tpu.memory_space<vmem>>)
      %dma_start3A_106 = arith.constant 1 : i32
      %dma_start3A_107 = arith.constant 0 : i32
      %dma_start3A_108 = tpu.memref_slice %arg8[%add3A_84, %dma_start3A_107] : memref<92x112xi32, #tpu.memory_space<vmem>> -> memref<1x112xi32, #tpu.memory_space<vmem>>
      %dma_start3A_109 = tpu.memref_squeeze %dma_start3A_108 : memref<1x112xi32, #tpu.memory_space<vmem>> -> memref<112xi32, #tpu.memory_space<vmem>>
      %dma_start3A_110 = arith.constant 0 : i32
      %dma_start3A_111 = arith.constant 0 : i32
      %dma_start3A_112 = tpu.memref_slice %arg14[%dma_start3A_110, %dma_start3A_111] : memref<10112x64xf32, #tpu.memory_space<vmem_shared>> -> memref<10112x64xf32, #tpu.memory_space<vmem_shared>>
      %dma_start3A_113 = tpu.memref_slice %arg16[%dma_start3A_106] : memref<4x!tpu.dma_semaphore, #tpu.memory_space<semaphore_mem>> -> memref<1x!tpu.dma_semaphore, #tpu.memory_space<semaphore_mem>>
      %dma_start3A_114 = tpu.memref_squeeze %dma_start3A_113 : memref<1x!tpu.dma_semaphore, #tpu.memory_space<semaphore_mem>> -> memref<!tpu.dma_semaphore, #tpu.memory_space<semaphore_mem>>
      tpu.enqueue_indirect_dma source(%arg10 : memref<112x64xf32, #tpu.memory_space<vmem>>) target(%dma_start3A_112 : memref<10112x64xf32, #tpu.memory_space<vmem_shared>>) offsets(%dma_start3A_109 : memref<112xi32, #tpu.memory_space<vmem>>) semaphore(%dma_start3A_114 : memref<!tpu.dma_semaphore, #tpu.memory_space<semaphore_mem>>) {add = true}
      %mul3A_115 = arith.constant 4 : i32
      %mul3A_116 = arith.muli %add3A_50, %mul3A_115 : i32
      %add3A_117 = arith.constant 2 : i32
      %add3A_118 = arith.addi %mul3A_116, %add3A_117 : i32
      %ge3A_119 = arith.constant 2 : i32
      %ge3A_120 = arith.cmpi sge, %add3A_118, %ge3A_119 : i32
      %convert_element_type3A_121 = arith.extui %ge3A_120 : i1 to i32
      %cond3A_122 = arith.constant 0 : i32
      %cond3A_123 = arith.cmpi ne, %convert_element_type3A_121, %cond3A_122 : i32
      scf.if %cond3A_123 {
        %sub3A = arith.constant 2 : i32
        %sub3A_183 = arith.subi %add3A_118, %sub3A : i32
        %dma_wait3A_184 = arith.constant 0 : i32
        %dma_wait3A_185 = arith.constant 0 : i32
        %dma_wait3A_186 = tpu.memref_slice %arg8[%sub3A_183, %dma_wait3A_185] : memref<92x112xi32, #tpu.memory_space<vmem>> -> memref<1x112xi32, #tpu.memory_space<vmem>>
        %dma_wait3A_187 = tpu.memref_squeeze %dma_wait3A_186 : memref<1x112xi32, #tpu.memory_space<vmem>> -> memref<112xi32, #tpu.memory_space<vmem>>
        %dma_wait3A_188 = arith.constant 0 : i32
        %dma_wait3A_189 = arith.constant 0 : i32
        %dma_wait3A_190 = tpu.memref_slice %arg14[%dma_wait3A_188, %dma_wait3A_189] : memref<10112x64xf32, #tpu.memory_space<vmem_shared>> -> memref<10112x64xf32, #tpu.memory_space<vmem_shared>>
        %dma_wait3A_191 = tpu.memref_slice %arg16[%dma_wait3A_184] : memref<4x!tpu.dma_semaphore, #tpu.memory_space<semaphore_mem>> -> memref<1x!tpu.dma_semaphore, #tpu.memory_space<semaphore_mem>>
        %dma_wait3A_192 = tpu.memref_squeeze %dma_wait3A_191 : memref<1x!tpu.dma_semaphore, #tpu.memory_space<semaphore_mem>> -> memref<!tpu.dma_semaphore, #tpu.memory_space<semaphore_mem>>
        tpu.wait_indirect_dma semaphore(%dma_wait3A_192 : memref<!tpu.dma_semaphore, #tpu.memory_space<semaphore_mem>>) src(%arg9 : memref<112x64xf32, #tpu.memory_space<vmem>>) dst(%dma_wait3A_190 : memref<10112x64xf32, #tpu.memory_space<vmem_shared>>)
      } else {
      }
      %add3A_124 = arith.constant 2 : i32
      %add3A_125 = arith.addi %add3A_118, %add3A_124 : i32
      %lt3A_126 = arith.constant 92 : i32
      %lt3A_127 = arith.cmpi slt, %add3A_125, %lt3A_126 : i32
      %convert_element_type3A_128 = arith.extui %lt3A_127 : i1 to i32
      %cond3A_129 = arith.constant 0 : i32
      %cond3A_130 = arith.cmpi ne, %convert_element_type3A_128, %cond3A_129 : i32
      scf.if %cond3A_130 {
        %add3A_183 = arith.constant 2 : i32
        %add3A_184 = arith.addi %add3A_118, %add3A_183 : i32
        %dma_start3A_185 = arith.constant 0 : i32
        %dma_start3A_186 = arith.constant 0 : i32
        %dma_start3A_187 = tpu.memref_slice %arg7[%add3A_184, %dma_start3A_186] : memref<92x112xi32, #tpu.memory_space<vmem>> -> memref<1x112xi32, #tpu.memory_space<vmem>>
        %dma_start3A_188 = tpu.memref_squeeze %dma_start3A_187 : memref<1x112xi32, #tpu.memory_space<vmem>> -> memref<112xi32, #tpu.memory_space<vmem>>
        %dma_start3A_189 = arith.constant 0 : i32
        %dma_start3A_190 = arith.constant 0 : i32
        %dma_start3A_191 = tpu.memref_slice %arg13[%dma_start3A_189, %dma_start3A_190] : memref<10112x64xf32, #tpu.memory_space<vmem_shared>> -> memref<10112x64xf32, #tpu.memory_space<vmem_shared>>
        %dma_start3A_192 = tpu.memref_slice %arg15[%dma_start3A_185] : memref<4x!tpu.dma_semaphore, #tpu.memory_space<semaphore_mem>> -> memref<1x!tpu.dma_semaphore, #tpu.memory_space<semaphore_mem>>
        %dma_start3A_193 = tpu.memref_squeeze %dma_start3A_192 : memref<1x!tpu.dma_semaphore, #tpu.memory_space<semaphore_mem>> -> memref<!tpu.dma_semaphore, #tpu.memory_space<semaphore_mem>>
        tpu.enqueue_indirect_dma source(%dma_start3A_191 : memref<10112x64xf32, #tpu.memory_space<vmem_shared>>) target(%arg9 : memref<112x64xf32, #tpu.memory_space<vmem>>) offsets(%dma_start3A_188 : memref<112xi32, #tpu.memory_space<vmem>>) semaphore(%dma_start3A_193 : memref<!tpu.dma_semaphore, #tpu.memory_space<semaphore_mem>>)
      } else {
      }
      %dma_wait3A_131 = arith.constant 2 : i32
      %dma_wait3A_132 = arith.constant 0 : i32
      %dma_wait3A_133 = tpu.memref_slice %arg7[%add3A_118, %dma_wait3A_132] : memref<92x112xi32, #tpu.memory_space<vmem>> -> memref<1x112xi32, #tpu.memory_space<vmem>>
      %dma_wait3A_134 = tpu.memref_squeeze %dma_wait3A_133 : memref<1x112xi32, #tpu.memory_space<vmem>> -> memref<112xi32, #tpu.memory_space<vmem>>
      %dma_wait3A_135 = arith.constant 0 : i32
      %dma_wait3A_136 = arith.constant 0 : i32
      %dma_wait3A_137 = tpu.memref_slice %arg13[%dma_wait3A_135, %dma_wait3A_136] : memref<10112x64xf32, #tpu.memory_space<vmem_shared>> -> memref<10112x64xf32, #tpu.memory_space<vmem_shared>>
      %dma_wait3A_138 = tpu.memref_slice %arg15[%dma_wait3A_131] : memref<4x!tpu.dma_semaphore, #tpu.memory_space<semaphore_mem>> -> memref<1x!tpu.dma_semaphore, #tpu.memory_space<semaphore_mem>>
      %dma_wait3A_139 = tpu.memref_squeeze %dma_wait3A_138 : memref<1x!tpu.dma_semaphore, #tpu.memory_space<semaphore_mem>> -> memref<!tpu.dma_semaphore, #tpu.memory_space<semaphore_mem>>
      tpu.wait_indirect_dma semaphore(%dma_wait3A_139 : memref<!tpu.dma_semaphore, #tpu.memory_space<semaphore_mem>>) src(%dma_wait3A_137 : memref<10112x64xf32, #tpu.memory_space<vmem_shared>>) dst(%arg11 : memref<112x64xf32, #tpu.memory_space<vmem>>)
      %dma_start3A_140 = arith.constant 2 : i32
      %dma_start3A_141 = arith.constant 0 : i32
      %dma_start3A_142 = tpu.memref_slice %arg8[%add3A_118, %dma_start3A_141] : memref<92x112xi32, #tpu.memory_space<vmem>> -> memref<1x112xi32, #tpu.memory_space<vmem>>
      %dma_start3A_143 = tpu.memref_squeeze %dma_start3A_142 : memref<1x112xi32, #tpu.memory_space<vmem>> -> memref<112xi32, #tpu.memory_space<vmem>>
      %dma_start3A_144 = arith.constant 0 : i32
      %dma_start3A_145 = arith.constant 0 : i32
      %dma_start3A_146 = tpu.memref_slice %arg14[%dma_start3A_144, %dma_start3A_145] : memref<10112x64xf32, #tpu.memory_space<vmem_shared>> -> memref<10112x64xf32, #tpu.memory_space<vmem_shared>>
      %dma_start3A_147 = tpu.memref_slice %arg16[%dma_start3A_140] : memref<4x!tpu.dma_semaphore, #tpu.memory_space<semaphore_mem>> -> memref<1x!tpu.dma_semaphore, #tpu.memory_space<semaphore_mem>>
      %dma_start3A_148 = tpu.memref_squeeze %dma_start3A_147 : memref<1x!tpu.dma_semaphore, #tpu.memory_space<semaphore_mem>> -> memref<!tpu.dma_semaphore, #tpu.memory_space<semaphore_mem>>
      tpu.enqueue_indirect_dma source(%arg11 : memref<112x64xf32, #tpu.memory_space<vmem>>) target(%dma_start3A_146 : memref<10112x64xf32, #tpu.memory_space<vmem_shared>>) offsets(%dma_start3A_143 : memref<112xi32, #tpu.memory_space<vmem>>) semaphore(%dma_start3A_148 : memref<!tpu.dma_semaphore, #tpu.memory_space<semaphore_mem>>) {add = true}
      %mul3A_149 = arith.constant 4 : i32
      %mul3A_150 = arith.muli %add3A_50, %mul3A_149 : i32
      %add3A_151 = arith.constant 3 : i32
      %add3A_152 = arith.addi %mul3A_150, %add3A_151 : i32
      %ge3A_153 = arith.constant 2 : i32
      %ge3A_154 = arith.cmpi sge, %add3A_152, %ge3A_153 : i32
      %convert_element_type3A_155 = arith.extui %ge3A_154 : i1 to i32
      %cond3A_156 = arith.constant 0 : i32
      %cond3A_157 = arith.cmpi ne, %convert_element_type3A_155, %cond3A_156 : i32
      scf.if %cond3A_157 {
        %sub3A = arith.constant 2 : i32
        %sub3A_183 = arith.subi %add3A_152, %sub3A : i32
        %dma_wait3A_184 = arith.constant 1 : i32
        %dma_wait3A_185 = arith.constant 0 : i32
        %dma_wait3A_186 = tpu.memref_slice %arg8[%sub3A_183, %dma_wait3A_185] : memref<92x112xi32, #tpu.memory_space<vmem>> -> memref<1x112xi32, #tpu.memory_space<vmem>>
        %dma_wait3A_187 = tpu.memref_squeeze %dma_wait3A_186 : memref<1x112xi32, #tpu.memory_space<vmem>> -> memref<112xi32, #tpu.memory_space<vmem>>
        %dma_wait3A_188 = arith.constant 0 : i32
        %dma_wait3A_189 = arith.constant 0 : i32
        %dma_wait3A_190 = tpu.memref_slice %arg14[%dma_wait3A_188, %dma_wait3A_189] : memref<10112x64xf32, #tpu.memory_space<vmem_shared>> -> memref<10112x64xf32, #tpu.memory_space<vmem_shared>>
        %dma_wait3A_191 = tpu.memref_slice %arg16[%dma_wait3A_184] : memref<4x!tpu.dma_semaphore, #tpu.memory_space<semaphore_mem>> -> memref<1x!tpu.dma_semaphore, #tpu.memory_space<semaphore_mem>>
        %dma_wait3A_192 = tpu.memref_squeeze %dma_wait3A_191 : memref<1x!tpu.dma_semaphore, #tpu.memory_space<semaphore_mem>> -> memref<!tpu.dma_semaphore, #tpu.memory_space<semaphore_mem>>
        tpu.wait_indirect_dma semaphore(%dma_wait3A_192 : memref<!tpu.dma_semaphore, #tpu.memory_space<semaphore_mem>>) src(%arg10 : memref<112x64xf32, #tpu.memory_space<vmem>>) dst(%dma_wait3A_190 : memref<10112x64xf32, #tpu.memory_space<vmem_shared>>)
      } else {
      }
      %add3A_158 = arith.constant 2 : i32
      %add3A_159 = arith.addi %add3A_152, %add3A_158 : i32
      %lt3A_160 = arith.constant 92 : i32
      %lt3A_161 = arith.cmpi slt, %add3A_159, %lt3A_160 : i32
      %convert_element_type3A_162 = arith.extui %lt3A_161 : i1 to i32
      %cond3A_163 = arith.constant 0 : i32
      %cond3A_164 = arith.cmpi ne, %convert_element_type3A_162, %cond3A_163 : i32
      scf.if %cond3A_164 {
        %add3A_183 = arith.constant 2 : i32
        %add3A_184 = arith.addi %add3A_152, %add3A_183 : i32
        %dma_start3A_185 = arith.constant 1 : i32
        %dma_start3A_186 = arith.constant 0 : i32
        %dma_start3A_187 = tpu.memref_slice %arg7[%add3A_184, %dma_start3A_186] : memref<92x112xi32, #tpu.memory_space<vmem>> -> memref<1x112xi32, #tpu.memory_space<vmem>>
        %dma_start3A_188 = tpu.memref_squeeze %dma_start3A_187 : memref<1x112xi32, #tpu.memory_space<vmem>> -> memref<112xi32, #tpu.memory_space<vmem>>
        %dma_start3A_189 = arith.constant 0 : i32
        %dma_start3A_190 = arith.constant 0 : i32
        %dma_start3A_191 = tpu.memref_slice %arg13[%dma_start3A_189, %dma_start3A_190] : memref<10112x64xf32, #tpu.memory_space<vmem_shared>> -> memref<10112x64xf32, #tpu.memory_space<vmem_shared>>
        %dma_start3A_192 = tpu.memref_slice %arg15[%dma_start3A_185] : memref<4x!tpu.dma_semaphore, #tpu.memory_space<semaphore_mem>> -> memref<1x!tpu.dma_semaphore, #tpu.memory_space<semaphore_mem>>
        %dma_start3A_193 = tpu.memref_squeeze %dma_start3A_192 : memref<1x!tpu.dma_semaphore, #tpu.memory_space<semaphore_mem>> -> memref<!tpu.dma_semaphore, #tpu.memory_space<semaphore_mem>>
        tpu.enqueue_indirect_dma source(%dma_start3A_191 : memref<10112x64xf32, #tpu.memory_space<vmem_shared>>) target(%arg10 : memref<112x64xf32, #tpu.memory_space<vmem>>) offsets(%dma_start3A_188 : memref<112xi32, #tpu.memory_space<vmem>>) semaphore(%dma_start3A_193 : memref<!tpu.dma_semaphore, #tpu.memory_space<semaphore_mem>>)
      } else {
      }
      %dma_wait3A_165 = arith.constant 3 : i32
      %dma_wait3A_166 = arith.constant 0 : i32
      %dma_wait3A_167 = tpu.memref_slice %arg7[%add3A_152, %dma_wait3A_166] : memref<92x112xi32, #tpu.memory_space<vmem>> -> memref<1x112xi32, #tpu.memory_space<vmem>>
      %dma_wait3A_168 = tpu.memref_squeeze %dma_wait3A_167 : memref<1x112xi32, #tpu.memory_space<vmem>> -> memref<112xi32, #tpu.memory_space<vmem>>
      %dma_wait3A_169 = arith.constant 0 : i32
      %dma_wait3A_170 = arith.constant 0 : i32
      %dma_wait3A_171 = tpu.memref_slice %arg13[%dma_wait3A_169, %dma_wait3A_170] : memref<10112x64xf32, #tpu.memory_space<vmem_shared>> -> memref<10112x64xf32, #tpu.memory_space<vmem_shared>>
      %dma_wait3A_172 = tpu.memref_slice %arg15[%dma_wait3A_165] : memref<4x!tpu.dma_semaphore, #tpu.memory_space<semaphore_mem>> -> memref<1x!tpu.dma_semaphore, #tpu.memory_space<semaphore_mem>>
      %dma_wait3A_173 = tpu.memref_squeeze %dma_wait3A_172 : memref<1x!tpu.dma_semaphore, #tpu.memory_space<semaphore_mem>> -> memref<!tpu.dma_semaphore, #tpu.memory_space<semaphore_mem>>
      tpu.wait_indirect_dma semaphore(%dma_wait3A_173 : memref<!tpu.dma_semaphore, #tpu.memory_space<semaphore_mem>>) src(%dma_wait3A_171 : memref<10112x64xf32, #tpu.memory_space<vmem_shared>>) dst(%arg12 : memref<112x64xf32, #tpu.memory_space<vmem>>)
      %dma_start3A_174 = arith.constant 3 : i32
      %dma_start3A_175 = arith.constant 0 : i32
      %dma_start3A_176 = tpu.memref_slice %arg8[%add3A_152, %dma_start3A_175] : memref<92x112xi32, #tpu.memory_space<vmem>> -> memref<1x112xi32, #tpu.memory_space<vmem>>
      %dma_start3A_177 = tpu.memref_squeeze %dma_start3A_176 : memref<1x112xi32, #tpu.memory_space<vmem>> -> memref<112xi32, #tpu.memory_space<vmem>>
      %dma_start3A_178 = arith.constant 0 : i32
      %dma_start3A_179 = arith.constant 0 : i32
      %dma_start3A_180 = tpu.memref_slice %arg14[%dma_start3A_178, %dma_start3A_179] : memref<10112x64xf32, #tpu.memory_space<vmem_shared>> -> memref<10112x64xf32, #tpu.memory_space<vmem_shared>>
      %dma_start3A_181 = tpu.memref_slice %arg16[%dma_start3A_174] : memref<4x!tpu.dma_semaphore, #tpu.memory_space<semaphore_mem>> -> memref<1x!tpu.dma_semaphore, #tpu.memory_space<semaphore_mem>>
      %dma_start3A_182 = tpu.memref_squeeze %dma_start3A_181 : memref<1x!tpu.dma_semaphore, #tpu.memory_space<semaphore_mem>> -> memref<!tpu.dma_semaphore, #tpu.memory_space<semaphore_mem>>
      tpu.enqueue_indirect_dma source(%arg12 : memref<112x64xf32, #tpu.memory_space<vmem>>) target(%dma_start3A_180 : memref<10112x64xf32, #tpu.memory_space<vmem_shared>>) offsets(%dma_start3A_177 : memref<112xi32, #tpu.memory_space<vmem>>) semaphore(%dma_start3A_182 : memref<!tpu.dma_semaphore, #tpu.memory_space<semaphore_mem>>) {add = true}
    }
    %scan3A_25 = arith.constant 23 : i32
    %dma_wait3A = arith.constant 90 : i32
    %dma_wait3A_26 = arith.constant 2 : i32
    %dma_wait3A_27 = arith.constant 0 : i32
    %dma_wait3A_28 = tpu.memref_slice %arg8[%dma_wait3A, %dma_wait3A_27] : memref<92x112xi32, #tpu.memory_space<vmem>> -> memref<1x112xi32, #tpu.memory_space<vmem>>
    %dma_wait3A_29 = tpu.memref_squeeze %dma_wait3A_28 : memref<1x112xi32, #tpu.memory_space<vmem>> -> memref<112xi32, #tpu.memory_space<vmem>>
    %dma_wait3A_30 = arith.constant 0 : i32
    %dma_wait3A_31 = arith.constant 0 : i32
    %dma_wait3A_32 = tpu.memref_slice %arg14[%dma_wait3A_30, %dma_wait3A_31] : memref<10112x64xf32, #tpu.memory_space<vmem_shared>> -> memref<10112x64xf32, #tpu.memory_space<vmem_shared>>
    %dma_wait3A_33 = tpu.memref_slice %arg16[%dma_wait3A_26] : memref<4x!tpu.dma_semaphore, #tpu.memory_space<semaphore_mem>> -> memref<1x!tpu.dma_semaphore, #tpu.memory_space<semaphore_mem>>
    %dma_wait3A_34 = tpu.memref_squeeze %dma_wait3A_33 : memref<1x!tpu.dma_semaphore, #tpu.memory_space<semaphore_mem>> -> memref<!tpu.dma_semaphore, #tpu.memory_space<semaphore_mem>>
    tpu.wait_indirect_dma semaphore(%dma_wait3A_34 : memref<!tpu.dma_semaphore, #tpu.memory_space<semaphore_mem>>) src(%arg11 : memref<112x64xf32, #tpu.memory_space<vmem>>) dst(%dma_wait3A_32 : memref<10112x64xf32, #tpu.memory_space<vmem_shared>>)
    %dma_wait3A_35 = arith.constant 91 : i32
    %dma_wait3A_36 = arith.constant 3 : i32
    %dma_wait3A_37 = arith.constant 0 : i32
    %dma_wait3A_38 = tpu.memref_slice %arg8[%dma_wait3A_35, %dma_wait3A_37] : memref<92x112xi32, #tpu.memory_space<vmem>> -> memref<1x112xi32, #tpu.memory_space<vmem>>
    %dma_wait3A_39 = tpu.memref_squeeze %dma_wait3A_38 : memref<1x112xi32, #tpu.memory_space<vmem>> -> memref<112xi32, #tpu.memory_space<vmem>>
    %dma_wait3A_40 = arith.constant 0 : i32
    %dma_wait3A_41 = arith.constant 0 : i32
    %dma_wait3A_42 = tpu.memref_slice %arg14[%dma_wait3A_40, %dma_wait3A_41] : memref<10112x64xf32, #tpu.memory_space<vmem_shared>> -> memref<10112x64xf32, #tpu.memory_space<vmem_shared>>
    %dma_wait3A_43 = tpu.memref_slice %arg16[%dma_wait3A_36] : memref<4x!tpu.dma_semaphore, #tpu.memory_space<semaphore_mem>> -> memref<1x!tpu.dma_semaphore, #tpu.memory_space<semaphore_mem>>
    %dma_wait3A_44 = tpu.memref_squeeze %dma_wait3A_43 : memref<1x!tpu.dma_semaphore, #tpu.memory_space<semaphore_mem>> -> memref<!tpu.dma_semaphore, #tpu.memory_space<semaphore_mem>>
    tpu.wait_indirect_dma semaphore(%dma_wait3A_44 : memref<!tpu.dma_semaphore, #tpu.memory_space<semaphore_mem>>) src(%arg12 : memref<112x64xf32, #tpu.memory_space<vmem>>) dst(%dma_wait3A_42 : memref<10112x64xf32, #tpu.memory_space<vmem_shared>>)
    %barrier3A_45 = arith.constant 0 : index
    tpu.barrier barrier_id(%barrier3A_45)
    "tpu.region"() ({
      %run_scoped3A = tpu.sem_alloc : memref<!tpu.dma_semaphore, #tpu.memory_space<semaphore_mem>>
      %dma_start3A_46 = arith.constant 0 : i32
      %dma_start3A_47 = tpu.memref_slice %arg6[%arg0, %multiple_of3A, %dma_start3A_46] : memref<2x10112x64xf32, #tpu.memory_space<hbm>> -> memref<1x632x64xf32, #tpu.memory_space<hbm>>
      %dma_start3A_48 = tpu.memref_squeeze %dma_start3A_47 : memref<1x632x64xf32, #tpu.memory_space<hbm>> -> memref<632x64xf32, #tpu.memory_space<hbm>>
      %dma_start3A_49 = arith.constant 0 : i32
      %dma_start3A_50 = tpu.memref_slice %arg14[%multiple_of3A, %dma_start3A_49] : memref<10112x64xf32, #tpu.memory_space<vmem_shared>> -> memref<632x64xf32, #tpu.memory_space<vmem_shared>>
      tpu.enqueue_dma source(%dma_start3A_50 : memref<632x64xf32, #tpu.memory_space<vmem_shared>>) target(%dma_start3A_48 : memref<632x64xf32, #tpu.memory_space<hbm>>) target_semaphore(%run_scoped3A : memref<!tpu.dma_semaphore, #tpu.memory_space<semaphore_mem>>)
      %dma_wait3A_51 = arith.constant 0 : i32
      %dma_wait3A_52 = tpu.memref_slice %arg6[%arg0, %multiple_of3A, %dma_wait3A_51] : memref<2x10112x64xf32, #tpu.memory_space<hbm>> -> memref<1x632x64xf32, #tpu.memory_space<hbm>>
      %dma_wait3A_53 = tpu.memref_squeeze %dma_wait3A_52 : memref<1x632x64xf32, #tpu.memory_space<hbm>> -> memref<632x64xf32, #tpu.memory_space<hbm>>
      %dma_wait3A_54 = arith.constant 0 : i32
      %dma_wait3A_55 = tpu.memref_slice %arg14[%multiple_of3A, %dma_wait3A_54] : memref<10112x64xf32, #tpu.memory_space<vmem_shared>> -> memref<632x64xf32, #tpu.memory_space<vmem_shared>>
      tpu.wait_dma2 semaphore(%run_scoped3A : memref<!tpu.dma_semaphore, #tpu.memory_space<semaphore_mem>>) src(%dma_wait3A_55 : memref<632x64xf32, #tpu.memory_space<vmem_shared>>) dst(%dma_wait3A_53 : memref<632x64xf32, #tpu.memory_space<hbm>>)
      tpu.yield
    }) : () -> ()
    return
  }
}

module attributes {stable_mosaic.version = 14 : i64} {
  func.func @body(%arg0: memref<10000x128xf32, #tpu.memory_space<vmem>>, %arg1: memref<128x64xf32, #tpu.memory_space<vmem>>, %arg2: memref<32x10112xf32, #tpu.memory_space<vmem>>, %arg3: memref<10112x64xf32, #tpu.memory_space<vmem>>, %arg4: memref<10112x1xf32, #tpu.memory_space<vmem>>) attributes {dimension_semantics = [], scalar_prefetch = 0 : i64, scratch_operands = 0 : i64, tpu.core_type = #tpu.core_type<tc>} {
    %get3A = arith.constant 0 : index
    %get3A_0 = arith.constant 0 : index
    %get3A_1 = vector.load %arg2[%get3A, %get3A_0] : memref<32x10112xf32, #tpu.memory_space<vmem>>, vector<32x10112xf32>
    %reduce_sum3A = arith.constant dense<0.000000e+00> : vector<10112xf32>
    %reduce_sum3A_2 = vector.multi_reduction <add>, %get3A_1, %reduce_sum3A [0] : vector<32x10112xf32> to vector<10112xf32>
    %broadcast_in_dim3A = vector.shape_cast %reduce_sum3A_2 : vector<10112xf32> to vector<1x10112xf32>
    %max3A = arith.constant 1.000000e+00 : f32
    %max3A_3 = vector.broadcast %max3A : f32 to vector<1x10112xf32>
    %max3A_4 = arith.maximumf %broadcast_in_dim3A, %max3A_3 : vector<1x10112xf32>
    %rsqrt3A = math.rsqrt %max3A_4 : vector<1x10112xf32>
    %transpose3A = tpu.transpose %rsqrt3A, [1, 0] : vector<1x10112xf32> -> vector<10112x1xf32>
    %get3A_5 = arith.constant 0 : index
    %get3A_6 = arith.constant 0 : index
    %get3A_7 = vector.load %arg0[%get3A_5, %get3A_6] : memref<10000x128xf32, #tpu.memory_space<vmem>>, vector<10000x128xf32>
    %get3A_8 = arith.constant 0 : index
    %get3A_9 = arith.constant 0 : index
    %get3A_10 = vector.load %arg1[%get3A_8, %get3A_9] : memref<128x64xf32, #tpu.memory_space<vmem>>, vector<128x64xf32>
    %dot_general3A = arith.constant dense<0.000000e+00> : vector<10000x64xf32>
    %dot_general3A_11 = tpu.matmul %get3A_7, %get3A_10, %dot_general3A {dimension_numbers = #tpu.dot_dimension_numbers<[1], [0], [0], [1], [0, 0, 1, 1], [], []>, transpose_lhs_hint = false} : vector<10000x128xf32>, vector<128x64xf32>, vector<10000x64xf32> -> vector<10000x64xf32>
    %jit3A = arith.constant 0 : i32
    %convert_element_type3A = arith.sitofp %jit3A : i32 to f32
    %pad3A = vector.broadcast %convert_element_type3A : f32 to vector<112x64xf32>
    %pad3A_12 = tpu.concatenate %dot_general3A_11, %pad3A in 0 : vector<10000x64xf32>, vector<112x64xf32> -> vector<10112x64xf32>
    %mul3A = vector.broadcast %transpose3A : vector<10112x1xf32> to vector<10112x64xf32>
    %mul3A_13 = arith.mulf %pad3A_12, %mul3A : vector<10112x64xf32>
    %swap3A = arith.constant 0 : index
    %swap3A_14 = arith.constant 0 : index
    %swap3A_15 = vector.load %arg3[%swap3A, %swap3A_14] : memref<10112x64xf32, #tpu.memory_space<vmem>>, vector<10112x64xf32>
    tpu.vector_store %arg3[%swap3A, %swap3A_14], %mul3A_13 {strides = array<i32>} : memref<10112x64xf32, #tpu.memory_space<vmem>>, vector<10112x64xf32>,
    %swap3A_16 = arith.constant 0 : index
    %swap3A_17 = arith.constant 0 : index
    %swap3A_18 = vector.load %arg4[%swap3A_16, %swap3A_17] : memref<10112x1xf32, #tpu.memory_space<vmem>>, vector<10112x1xf32>
    tpu.vector_store %arg4[%swap3A_16, %swap3A_17], %transpose3A {strides = array<i32>} : memref<10112x1xf32, #tpu.memory_space<vmem>>, vector<10112x1xf32>,
    return
  }
}

module attributes {stable_mosaic.version = 14 : i64} {
  func.func @body2(%arg0: memref<2x10112x64xf32, #tpu.memory_space<vmem>>, %arg1: memref<10112x1xf32, #tpu.memory_space<vmem>>, %arg2: memref<10112x64xf32, #tpu.memory_space<vmem>>) attributes {dimension_semantics = [], scalar_prefetch = 0 : i64, scratch_operands = 0 : i64, tpu.core_type = #tpu.core_type<tc>} {
    %get3A = arith.constant 0 : index
    %get3A_0 = arith.constant 0 : index
    %get3A_1 = arith.constant 0 : index
    %get3A_2 = vector.load %arg0[%get3A, %get3A_0, %get3A_1] : memref<2x10112x64xf32, #tpu.memory_space<vmem>>, vector<1x10112x64xf32>
    %get3A_3 = vector.shape_cast %get3A_2 : vector<1x10112x64xf32> to vector<10112x64xf32>
    %get3A_4 = arith.constant 1 : index
    %get3A_5 = arith.constant 0 : index
    %get3A_6 = arith.constant 0 : index
    %get3A_7 = vector.load %arg0[%get3A_4, %get3A_5, %get3A_6] : memref<2x10112x64xf32, #tpu.memory_space<vmem>>, vector<1x10112x64xf32>
    %get3A_8 = vector.shape_cast %get3A_7 : vector<1x10112x64xf32> to vector<10112x64xf32>
    %add3A = arith.addf %get3A_3, %get3A_8 : vector<10112x64xf32>
    %get3A_9 = arith.constant 0 : index
    %get3A_10 = arith.constant 0 : index
    %get3A_11 = vector.load %arg1[%get3A_9, %get3A_10] : memref<10112x1xf32, #tpu.memory_space<vmem>>, vector<10112x1xf32>
    %mul3A = arith.mulf %get3A_11, %get3A_11 : vector<10112x1xf32>
    %mul3A_12 = vector.broadcast %mul3A : vector<10112x1xf32> to vector<10112x64xf32>
    %mul3A_13 = arith.mulf %add3A, %mul3A_12 : vector<10112x64xf32>
    %swap3A = arith.constant 0 : index
    %swap3A_14 = arith.constant 0 : index
    %swap3A_15 = vector.load %arg2[%swap3A, %swap3A_14] : memref<10112x64xf32, #tpu.memory_space<vmem>>, vector<10112x64xf32>
    tpu.vector_store %arg2[%swap3A, %swap3A_14], %mul3A_13 {strides = array<i32>} : memref<10112x64xf32, #tpu.memory_space<vmem>>, vector<10112x64xf32>,
    return
  }
}

module attributes {stable_mosaic.version = 14 : i64} {
  func.func @body2(%arg0: memref<2x10112x64xf32, #tpu.memory_space<vmem>>, %arg1: memref<10112x1xf32, #tpu.memory_space<vmem>>, %arg2: memref<10000x64xf32, #tpu.memory_space<vmem>>) attributes {dimension_semantics = [], scalar_prefetch = 0 : i64, scratch_operands = 0 : i64, tpu.core_type = #tpu.core_type<tc>} {
    %get3A = arith.constant 0 : index
    %get3A_0 = arith.constant 0 : index
    %get3A_1 = arith.constant 0 : index
    %get3A_2 = vector.load %arg0[%get3A, %get3A_0, %get3A_1] : memref<2x10112x64xf32, #tpu.memory_space<vmem>>, vector<1x10000x64xf32>
    %get3A_3 = vector.shape_cast %get3A_2 : vector<1x10000x64xf32> to vector<10000x64xf32>
    %get3A_4 = arith.constant 1 : index
    %get3A_5 = arith.constant 0 : index
    %get3A_6 = arith.constant 0 : index
    %get3A_7 = vector.load %arg0[%get3A_4, %get3A_5, %get3A_6] : memref<2x10112x64xf32, #tpu.memory_space<vmem>>, vector<1x10000x64xf32>
    %get3A_8 = vector.shape_cast %get3A_7 : vector<1x10000x64xf32> to vector<10000x64xf32>
    %add3A = arith.addf %get3A_3, %get3A_8 : vector<10000x64xf32>
    %get3A_9 = arith.constant 0 : index
    %get3A_10 = arith.constant 0 : index
    %get3A_11 = vector.load %arg1[%get3A_9, %get3A_10] : memref<10112x1xf32, #tpu.memory_space<vmem>>, vector<10000x1xf32>
    %mul3A = vector.broadcast %get3A_11 : vector<10000x1xf32> to vector<10000x64xf32>
    %mul3A_12 = arith.mulf %add3A, %mul3A : vector<10000x64xf32>
    %max3A = arith.constant 0.000000e+00 : f32
    %max3A_13 = vector.broadcast %max3A : f32 to vector<10000x64xf32>
    %max3A_14 = arith.maximumf %mul3A_12, %max3A_13 : vector<10000x64xf32>
    %swap3A = arith.constant 0 : index
    %swap3A_15 = arith.constant 0 : index
    %swap3A_16 = vector.load %arg2[%swap3A, %swap3A_15] : memref<10000x64xf32, #tpu.memory_space<vmem>>, vector<10000x64xf32>
    tpu.vector_store %arg2[%swap3A, %swap3A_15], %max3A_14 {strides = array<i32>} : memref<10000x64xf32, #tpu.memory_space<vmem>>, vector<10000x64xf32>,
    return
  }
}

</mosaic_0001>

<sc_bundles>
// kernel: kernel.11.cloned.1.call-start
scs
__scs_entry_jumppad:
0x0: {  	(pc) =	sbr.rel $0x88, $3  }
0x1: {  	(tag) =	ssettag $0x0;
	lr =	simm.s32 $0x1  }
0x2: {  	[smem:$0x3F9E] =	sst lr;
	_ =	strace $0xD0000000  }
0x3: {  	_ = 	snop  }
0x4: {  	_ = 	snop  }
0x5: {  	_ = 	snop  }
0x6: {  	_ = 	snop  }
0x7: {  	_ = 	snop  }
__scs_overlays_trampoline_lowered:
0x8: {  	[smem:$0x3FAD] =	sst s0  }
0x9: {  	[smem:$0x3FAE] =	sst s1  }
0xa: {  	[smem:$0x3FAF] =	sst s2  }
0xb: {  	[smem:$0x3FB0] =	sst s3  }
0xc: {  	[smem:$0x3FB1] =	sst s4  }
0xd: {  	[smem:$0x3FB2] =	sst s5  }
0xe: {  	[smem:$0x3FB3] =	sst s6  }
0xf: {  	[smem:$0x3FB4] =	sst s7  }
0x10: {  	[smem:$0x3FB5] =	sst s8  }
0x11: {  	[smem:$0x3FB6] =	sst s9;
	s0 =	simm.s32 @!p0 $0x0  }
0x12: {  	s1 =	sld [smem:$0x3F9C];
	s0 =	simm.s32 @p0 $0x1  }
0x13: {  	[smem:$0x3FB7] =	sst s0;
	s0 =	simm.s32 @!p1 $0x0  }
0x14: {  	s2 =	sld [smem:$0x3F9B];
	s0 =	simm.s32 @p1 $0x1  }
0x15: {  	[smem:$0x3FB8] =	sst s0;
	s0 =	simm.s32 @!p2 $0x0  }
0x16: {  	s3 =	sld [smem:$0x3FDB];
	s0 =	simm.s32 @p2 $0x1  }
0x17: {  	s4 =	simm.s32 $0x1BF5;
	[smem:$0x3FBA] =	sst s0  }
0x18: {  	s0 =	sld [smem:$0x3F9D];
	_ =	swait.ge [sflag:s4], $0x0  }
0x19: {  	s7 =	sld [smem:$0x3F9E]  }
0x1a: {  	s8 =	sadd.s32 $0xFFFFE003, lr  }
0x1b: {  	s9 =	sadd.s32 $0xFFFFFEF7, lr;
	s5 =	simm.s32 $0xFFFFFFFF;
	p2 =	slt.u32 s8, $0xFFFFF086  }
0x1c: {  	p1 =	slt.u32 s9, $0xF7A;
	s5 =	simm.s32 @!p2 $0x0  }
0x1d: {  	s5 =	simm.s32 @p1 $0x1;
	p0 =	seq.s32 s7, s2  }
0x1e: {  	s7 =	smul.u32 @!p0 $0xF7A, s2;
	p2 =	seq.s32 @!p0 s5, $0x0  }
0x1f: {  	s9 =	smul.u32 $0xF7A, s1;
	s8 =	simm.s32 @!p0 $0x1BF5;
	p2 =	por !p2, p0  }
0x20: {  	[sflag:s8] =	ssyncset.s32 @!p0 $0xFFFFF086;
	s6 =	sadd.s32 @!p0 s3, s7;
	s7 =	simm.s32 @!p0 $0x108  }
0x21: {  	s3 =	sadd.s32 s3, s9;
	s6 =	sadd.s32 @!p0 $0x88, s6;
	s7 =	simm.s32 @p2 $0x1082  }
0x22: {  	[simem:s7], [sflag:s8] =	dma.local @!p0 [hbm:s6], $0xF7A  }
0x23: {  	s9 =	sor.u32 $0xD0000000, s2;
	s6 =	simm.s32 $0x108;
	_ =	swait.ge @!p0 [sflag:s8], $0x0  }
0x24: {  	s3 =	sadd.s32 $0x88, s3;
	s6 =	simm.s32 @!p1 $0x1082;
	[sflag:s4] =	ssyncset.s32 $0xFFFFF086  }
0x25: {  	[simem:s6], [sflag:s4] =	dma.local [hbm:s3], $0xF7A  }
0x26: {  	[smem:$0x3F9E] =	sst s1;
	(tag) =	ssettag s2;
	_ =	strace s9  }
0x27: {  	s1 =	sld [smem:$0x3FAE]  }
0x28: {  	s2 =	sld [smem:$0x3FAF]  }
0x29: {  	s4 =	sld [smem:$0x3FB1]  }
0x2a: {  	p0 =	seq.s32 s5, $0x0;
	s5 =	sld [smem:$0x3FB2]  }
0x2b: {  	s6 =	sld [smem:$0x3FB3]  }
0x2c: {  	s7 =	sld [smem:$0x3FB4]  }
0x2d: {  	s3 =	simm.s32 $0x108;
	s8 =	sld [smem:$0x3FB5]  }
0x2e: {  	s3 =	simm.s32 @!p0 $0x1082;
	s9 =	sld [smem:$0x3FB6]  }
0x2f: {  	lr =	sadd.s32 s0, s3;
	s0 =	sld [smem:$0x3FAD]  }
0x30: {  	s3 =	sld [smem:$0x3FB0]  }
0x31: {  	[smem:$0x3FB9] =	sst s10  }
0x32: {  	s10 =	sld [smem:$0x3FB7];
	_ =	sdelay $0x3  }
0x33: {  	p0 =	seq.s32 s10, $0x1;
	s10 =	sld [smem:$0x3FB9];
	_ =	sdelay $0x3  }
0x34: {  	[smem:$0x3FB9] =	sst s10  }
0x35: {  	s10 =	sld [smem:$0x3FB8];
	_ =	sdelay $0x3  }
0x36: {  	p1 =	seq.s32 s10, $0x1;
	s10 =	sld [smem:$0x3FB9];
	_ =	sdelay $0x3  }
0x37: {  	[smem:$0x3FB9] =	sst s10  }
0x38: {  	s10 =	sld [smem:$0x3FBA]  }
0x39: {  	_ = 	snop;
	(pc) =	sbr.ind lr, $3  }
0x3a: {  	_ = 	snop  }
0x3b: {  	_ = 	snop  }
0x3c: {  	p2 =	seq.s32 s10, $0x1;
	s10 =	sld [smem:$0x3FB9]  }
0x3d: {  	_ =	shalt  }
0x3e: {  	_ =	shalt  }
0x3f: {  	_ =	shalt  }
0x40: {  	_ =	shalt  }
0x41: {  	_ =	shalt  }
0x42: {  	_ =	shalt  }
0x43: {  	_ =	shalt  }
0x44: {  	_ =	shalt  }
0x45: {  	_ =	shalt  }
0x46: {  	_ =	shalt  }
0x47: {  	_ =	shalt  }
0x48: {  	_ =	shalt  }
0x49: {  	_ =	shalt  }
0x4a: {  	_ =	shalt  }
0x4b: {  	_ =	shalt  }
0x4c: {  	_ =	shalt  }
0x4d: {  	_ =	shalt  }
0x4e: {  	_ =	shalt  }
0x4f: {  	_ =	shalt  }
0x50: {  	_ =	shalt  }
0x51: {  	_ =	shalt  }
0x52: {  	_ =	shalt  }
0x53: {  	_ =	shalt  }
0x54: {  	_ =	shalt  }
0x55: {  	_ =	shalt  }
0x56: {  	_ =	shalt  }
0x57: {  	_ =	shalt  }
0x58: {  	_ =	shalt  }
0x59: {  	_ =	shalt  }
0x5a: {  	_ =	shalt  }
0x5b: {  	_ =	shalt  }
0x5c: {  	_ =	shalt  }
0x5d: {  	_ =	shalt  }
0x5e: {  	_ =	shalt  }
0x5f: {  	_ =	shalt  }
0x60: {  	_ =	shalt  }
0x61: {  	_ =	shalt  }
0x62: {  	_ =	shalt  }
0x63: {  	_ =	shalt  }
0x64: {  	_ =	shalt  }
0x65: {  	_ =	shalt  }
0x66: {  	_ =	shalt  }
0x67: {  	_ =	shalt  }
0x68: {  	_ =	shalt  }
0x69: {  	_ =	shalt  }
0x6a: {  	_ =	shalt  }
0x6b: {  	_ =	shalt  }
0x6c: {  	_ =	shalt  }
0x6d: {  	_ =	shalt  }
0x6e: {  	_ =	shalt  }
0x6f: {  	_ =	shalt  }
0x70: {  	_ =	shalt  }
0x71: {  	_ =	shalt  }
0x72: {  	_ =	shalt  }
0x73: {  	_ =	shalt  }
0x74: {  	_ =	shalt  }
0x75: {  	_ =	shalt  }
0x76: {  	_ =	shalt  }
0x77: {  	_ =	shalt  }
0x78: {  	_ =	shalt  }
0x79: {  	_ =	shalt  }
0x7a: {  	_ =	shalt  }
0x7b: {  	_ =	shalt  }
0x7c: {  	_ =	shalt  }
0x7d: {  	_ =	shalt  }
0x7e: {  	_ =	shalt  }
0x7f: {  	_ =	shalt  }
0x80: {  	_ =	shalt  }
0x81: {  	_ =	shalt  }
0x82: {  	_ =	shalt  }
0x83: {  	_ =	shalt  }
0x84: {  	_ =	shalt  }
0x85: {  	_ =	shalt  }
0x86: {  	_ =	shalt  }
0x87: {  	_ =	shalt  }
.Lfunc_end0:
.L_simem_size_0:
called_computation.1_lowered:
.L_overlay_start_0:
0x88: {  	s2 =	sld [smem:$0x3FD9]  }
0x89: {  	s3 =	sld [smem:$0x3FFE];
	_ =	sdelay $0x1  }
0x8a: {  	s1 =	srdreg.scid  }
0x8b: {  	s0 =	sand.u32 $0x1, s1  }
0x8c: {  	s17 =	sshll.u32 s0, $0xA;
	s2 =	sadd.s32 s3, s2  }
0x8d: {  	s2 =	sadd.s32 s2, s17  }
0x8e: {  	[smem:$0x3FC5] =	sst s2  }
0x8f: {  	_ = 	snop  }
0x90: {  	s2 =	sld [smem:$0x3FD0];
	(tm) =	ssettm $0x1  }
0x91: {  	s18 =	sld [smem:$0x3FFB];
	_ =	sdelay $0x3  }
0x92: {  	_ =	strace s18  }
0x93: {  	s3 =	sld [smem:$0x3FFC];
	_ =	sdelay $0x3  }
0x94: {  	_ =	strace s3  }
0x95: {  	s3 =	sld [smem:$0x3FFD];
	_ =	sdelay $0x3  }
0x96: {  	_ =	strace s3  }
0x97: {  	_ =	strace $0x8FFFFFFF  }
0x98: {  	s19 =	sld [smem:$0x3FDB];
	_ =	sdelay $0x1  }
0x99: {  	s4 =	simm.s32 $_scs_section_size  }
0x9a: {  	s5 =	simm.s32 $_size__tile_overlayer_lowered;
	s6 =	simm.s32 $_tile_overlayer_lowered  }
0x9b: {  	s22 =	simm.s32 $0x1BFF;
	s21 =	sshll.u32 s6, $0x1;
	s3 =	sadd.s32 s4, s19  }
0x9c: {  	s7 =	simm.s32 $0x0;
	s20 =	sshll.u32 s5, $0x1;
	s5 =	sadd.s32 s21, s3  }
0x9d: {  	[timem:s7], [sflag:s22] =	dma.local [hbm:s5], s20  }
0x9e: {  	_ =	swait.ge [sflag:s22], s20  }
0x9f: {  	s4 =	ssub.s32 $0x0, s20;
	[sflag:s22] =	ssyncset.done $0x0  }
0xa0: {  	[sflag:s22] =	ssyncadd.s32 s4;
	_ =	sdelay $0x1  }
0xa1: {  	s23 =	simm.s32 $0x1B8B  }
0xa2: {  	_ =	swait.ge [sflag:s23], $0x1  }
0xa3: {  	[sflag:s23] =	ssyncset.done $0x0  }
0xa4: {  	s25 =	simm.s32 $0x1B8E;
	s24 =	sld [smem:$0x3FFE];
	[sflag:s23] =	ssyncadd.s32 $0xFFFFFFFF  }
0xa5: {  	s26 =	simm.s32 $execute0_lowered;
	[smem:$0x3FD2] =	sst s25  }
0xa6: {  	s5 =	sshll.u32 s26, $0x1;
	_ =	strace $0x80000049;
	[dreg:$0x1] =	wrdreg $0xFFFFFFFF  }
0xa7: {  	s28 =	simm.s32 $_size_execute0_lowered;
	s3 =	sadd.s32 s3, s5;
	[dreg:$0x0] =	wrdreg $0x0  }
0xa8: {  	s5 =	sshll.u32 s28, $0x1;
	[dreg:$0x2] =	wrdreg s3  }
0xa9: {  	[dreg:$0x3] =	wrdreg s5  }
0xaa: {  	[dreg:$0x4] =	wrdreg $0xC0  }
0xab: {  	_ =	task [dreg:s7], $0x5FFFF  }
0xac: {  	[dreg:$0x1] =	wrdreg $0xFFFFFFFF  }
0xad: {  	[dreg:$0x0] =	wrdreg $0x60  }
0xae: {  	[dreg:$0x2] =	wrdreg s2  }
0xaf: {  	[dreg:$0x3] =	wrdreg s24  }
0xb0: {  	[dreg:$0x4] =	wrdreg $0x15E800  }
0xb1: {  	[dreg:$0x5] =	wrdreg $0xC0800  }
0xb2: {  	[dreg:$0x6] =	wrdreg $0x9  }
0xb3: {  	_ =	task.clear_ibuf [dreg:s7], $0x7FFFF;
	_ =	strace $0x90000049  }
0xb4: {  	s29 =	simm.s32 $0x9;
	_ =	strace $0x8000004B  }
0xb5: {  	_ =	swait.ge [sflag:s29], $0x1  }
0xb6: {  	[sflag:s29] =	ssyncadd.s32 $0xFFFFFFFF  }
0xb7: {  	_ =	strace $0x9000004B  }
0xb8: {  	_ =	sfence  }
0xb9: {  	s30 =	sld [smem:$0x0];
	_ =	sdelay $0x2  }
0xba: {  	s31 =	sshll.u32 s1, $0xD;
	s1 =	sshrl.u32 s1, $0x2  }
0xbb: {  	s3 =	sand.u32 $0x4000, s31;
	s1 =	sadd.s32 s1, s30  }
0xbc: {  	s0 =	sor.u32 s3, s0;
	s1 =	sshll.u32 s1, $0x11  }
0xbd: {  	s0 =	sor.u32 s1, s0  }
0xbe: {  	s0 =	sadd.s32 $0x8F2B, s0  }
0xbf: {  	[sflag:s0] =	ssyncadd.remote.s32 $0x1  }
0xc0: {  	_ =	sfence.sel $0xFFFF  }
0xc1: {  	[dreg:$0x0] =	wrdreg $0xFFFFFFFF;
	(pc) =	sbr.abs _section_cstart, $3  }
0xc2: {  	[dreg:$0x1] =	wrdreg $0xFFFFFFFF  }
0xc3: {  	_ =	task.clear_ibuf [dreg:s7], $0x2FFFF;
	_ =	strace $0x9FFFFFFF  }
0xc4: {  	(tm) =	ssettm $0x7FFFFFFF  }
0xc5: {  	_ =	shalt  }
tec
execute0_lowered:
.L_overlay_start_1:
0x0: {  	(tag) =	ssettag $0x1  }
0x1: {  	s0 =	srdreg.scid;
	s1 =	rddreg [dreg:$0x0]  }
0x2: {  	s5 =	rddreg [dreg:$0x1];
	s13 =	stileid.u32  }
0x3: {  	s2 =	rddreg [dreg:$0x2];
	s15 =	simm.s32 $0x2840;
	s16 =	simm.s32 $0x70  }
0x4: {  	s17 =	simm.s32 $0x5080;
	s18 =	simm.s32 $0x6C80;
	s20 =	simm.s32 $0x8880  }
0x5: {  	s21 =	simm.s32 $0x1;
	s23 =	simm.s32 $0xA480;
	s24 =	simm.s32 $0x2  }
0x6: {  	s29 =	simm.s32 $0x3;
	s31 =	simm.s32 $0x6;
	s22 =	simm.s32 $0x7  }
0x7: {  	s0 =	sand.u32 $0x1, s0;
	s7 =	smul.u32 $0x9E00, s13;
	s28 =	sshll.u32 s13, $0x6  }
0x8: {  	s3 =	sshll.u32 s0, $0x4;
	s8 =	smul.u32 $0x9E000, s0;
	s0 =	ssub.s32 $0x2, s0  }
0x9: {  	s4 =	sor.u32 s13, s3;
	s3 =	rddreg [dreg:$0x3];
	s10 =	sshrl.u32 s7, $0x3  }
0xa: {  	s11 =	sshrl.u32 s0, $0x1;
	s30 =	sadd.s32 s7, s2;
	s13 =	simm.s32 $0x9  }
0xb: {  	s6 =	smul.u32 $0x508, s4;
	s4 =	simm.s32 $0x0;
	s25 =	sadd.s32 s7, s8  }
0xc: {  	s26 =	sadd.s32 s10, s5;
	s0 =	ssub.s32 s0, s11;
	s14 =	sadd.s32 s7, s3  }
0xd: {  	s7 =	sadd.s32 s1, s10;
	s1 =	simm.s32 $0x0;
	[smem:$0x7FF] =	sst s4  }
0xe: {  	s11 =	smax.u32 s0, $0x1;
	s14 =	sshrl.u32 s14, $0x3;
	s0 =	simm.s32 $0x4  }
0xf: {  	_ =	strace $0x8000004A;
	s9 =	sadd.s32 s6, s5;
	s6 =	sshrl.u32 s25, $0x3  }
0x10: {  	s25 =	simm.s32 $0x8;
	s12 =	sadd.s32 s6, s5;
	s5 =	sadd.s32 $0x15400, s26  }
0x11: {  	s6 =	sor.u32 $0x1C09, s28;
	s8 =	sadd.s32 $0xB200, s9;
	s9 =	sadd.s32 $0x1000, s9  }
0x12: {  	s26 =	simm.s32 $0x5;
	s10 =	sadd.s32 $0x29000, s12;
	s12 =	sshrl.u32 s30, $0x3  }
.LBB2_1:
0x13: {  	[spmem:s12], [sflag:s6] =	dma.local [hbm:s5], $0x13C0  }
0x14: {  	_ =	swait.ge [sflag:s13], $0x13C0  }
0x15: {  	[sflag:s13] =	ssyncset.done $0x0  }
0x16: {  	[sflag:s13] =	ssyncadd.s32 $0xFFFFEC40  }
0x17: {  	[spmem:s14], [sflag:s6] =	dma.local [hbm:s7], $0x13C0  }
0x18: {  	_ =	swait.ge [sflag:s13], $0x13C0  }
0x19: {  	[sflag:s13] =	ssyncset.done $0x0  }
0x1a: {  	[sflag:s13] =	ssyncadd.s32 $0xFFFFEC40  }
0x1b: {  	[tilespmem:s4], [sflag:$0x9] =	stream.linear.gather [hbm4b:s8+s4], $0x2840, $0x38;
	[tilespmem:$0x1FC80] =	vst v63  }
0x1c: {  	_ =	swait.ge [sflag:s13], $0x2840  }
0x1d: {  	[sflag:s13] =	ssyncset.done $0x0  }
0x1e: {  	[sflag:s13] =	ssyncadd.s32 $0xFFFFD7C0  }
0x1f: {  	[tilespmem:s15], [sflag:$0x9] =	stream.linear.gather [hbm4b:s9+s4], $0x2840, $0x38;
	[tilespmem:$0x1FC80] =	vst v63  }
0x20: {  	_ =	swait.ge [sflag:s13], $0x2840  }
0x21: {  	[sflag:s13] =	ssyncset.done $0x0  }
0x22: {  	[sflag:s13] =	ssyncadd.s32 $0xFFFFD7C0  }
0x23: {  	[bflag:$0x0] =	sbarrier.arrive $0xFFFF  }
0x24: {  	[tilespmem:s17], [sflag:$0x1] =	stream.indirect.gather [spmem:s3], $0x40, s4, s16, $0xb8;
	[tilespmem:$0x1FC80] =	vst v63  }
0x25: {  	_ = 	snop  }
0x26: {  	[tilespmem:s18], [sflag:$0x2] =	stream.indirect.gather [spmem:s3], $0x40, s16, s16, $0xb8;
	[tilespmem:$0x1FC80] =	vst v63  }
0x27: {  	s19 =	simm.s32 $0xE0  }
0x28: {  	[tilespmem:s20], [sflag:$0x3] =	stream.indirect.gather [spmem:s3], $0x40, s19, s16, $0xb8;
	[tilespmem:$0x1FC80] =	vst v63  }
0x29: {  	_ =	swait.ge [sflag:s21], $0x1C00  }
0x2a: {  	[sflag:s21] =	ssyncset.done $0x0  }
0x2b: {  	[sflag:s21] =	ssyncadd.s32 $0xFFFFE400  }
0x2c: {  	[spmem:s2] =	stream.indirect.scatter.add.f32 [tilespmem:s17], [sflag:$0x5], $0x40, s15, s16, $0xb8;
	[tilespmem:$0x1FC80] =	vst v63  }
0x2d: {  	s30 =	simm.s32 $0x150  }
0x2e: {  	[tilespmem:s23], [sflag:$0x4] =	stream.indirect.gather [spmem:s3], $0x40, s30, s16, $0xb8;
	[tilespmem:$0x1FC80] =	vst v63  }
0x2f: {  	_ =	swait.ge [sflag:s24], $0x1C00  }
0x30: {  	[sflag:s24] =	ssyncset.done $0x0  }
0x31: {  	s30 =	simm.s32 $0x28B0;
	[sflag:s24] =	ssyncadd.s32 $0xFFFFE400  }
0x32: {  	[spmem:s2] =	stream.indirect.scatter.add.f32 [tilespmem:s18], [sflag:$0x6], $0x40, s30, s16, $0xb8;
	[tilespmem:$0x1FC80] =	vst v63  }
0x33: {  	_ =	swait.ge [sflag:s26], $0x1C00  }
0x34: {  	[sflag:s26] =	ssyncset.done $0x0  }
0x35: {  	s30 =	simm.s32 $0x1C0;
	[sflag:s26] =	ssyncadd.s32 $0xFFFFE400  }
0x36: {  	[tilespmem:s17], [sflag:$0x1] =	stream.indirect.gather [spmem:s3], $0x40, s30, s16, $0xb8;
	[tilespmem:$0x1FC80] =	vst v63  }
0x37: {  	_ =	swait.ge [sflag:s29], $0x1C00  }
0x38: {  	[sflag:s29] =	ssyncset.done $0x0  }
0x39: {  	s30 =	simm.s32 $0x2920;
	[sflag:s29] =	ssyncadd.s32 $0xFFFFE400  }
0x3a: {  	[spmem:s2] =	stream.indirect.scatter.add.f32 [tilespmem:s20], [sflag:$0x7], $0x40, s30, s16, $0xb8;
	[tilespmem:$0x1FC80] =	vst v63  }
0x3b: {  	_ =	swait.ge [sflag:s31], $0x1C00  }
0x3c: {  	[sflag:s31] =	ssyncset.done $0x0  }
0x3d: {  	s30 =	simm.s32 $0x230;
	[sflag:s31] =	ssyncadd.s32 $0xFFFFE400  }
0x3e: {  	[tilespmem:s18], [sflag:$0x2] =	stream.indirect.gather [spmem:s3], $0x40, s30, s16, $0xb8;
	[tilespmem:$0x1FC80] =	vst v63  }
0x3f: {  	_ =	swait.ge [sflag:s0], $0x1C00  }
0x40: {  	[sflag:s0] =	ssyncset.done $0x0  }
0x41: {  	s30 =	simm.s32 $0x2990;
	[sflag:s0] =	ssyncadd.s32 $0xFFFFE400  }
0x42: {  	[spmem:s2] =	stream.indirect.scatter.add.f32 [tilespmem:s23], [sflag:$0x8], $0x40, s30, s16, $0xb8;
	[tilespmem:$0x1FC80] =	vst v63  }
0x43: {  	_ =	swait.ge [sflag:s22], $0x1C00  }
0x44: {  	[sflag:s22] =	ssyncset.done $0x0  }
0x45: {  	s30 =	simm.s32 $0x2A0;
	[sflag:s22] =	ssyncadd.s32 $0xFFFFE400  }
0x46: {  	[tilespmem:s20], [sflag:$0x3] =	stream.indirect.gather [spmem:s3], $0x40, s30, s16, $0xb8;
	[tilespmem:$0x1FC80] =	vst v63  }
0x47: {  	_ =	swait.ge [sflag:s21], $0x1C00  }
0x48: {  	[sflag:s21] =	ssyncset.done $0x0  }
0x49: {  	s30 =	simm.s32 $0x2A00;
	[sflag:s21] =	ssyncadd.s32 $0xFFFFE400  }
0x4a: {  	[spmem:s2] =	stream.indirect.scatter.add.f32 [tilespmem:s17], [sflag:$0x5], $0x40, s30, s16, $0xb8;
	[tilespmem:$0x1FC80] =	vst v63  }
0x4b: {  	_ =	swait.ge [sflag:s25], $0x1C00  }
0x4c: {  	[sflag:s25] =	ssyncset.done $0x0  }
0x4d: {  	s30 =	simm.s32 $0x310;
	[sflag:s25] =	ssyncadd.s32 $0xFFFFE400  }
0x4e: {  	[tilespmem:s23], [sflag:$0x4] =	stream.indirect.gather [spmem:s3], $0x40, s30, s16, $0xb8;
	[tilespmem:$0x1FC80] =	vst v63  }
0x4f: {  	_ =	swait.ge [sflag:s24], $0x1C00  }
0x50: {  	[sflag:s24] =	ssyncset.done $0x0  }
0x51: {  	s30 =	simm.s32 $0x2A70;
	[sflag:s24] =	ssyncadd.s32 $0xFFFFE400  }
0x52: {  	[spmem:s2] =	stream.indirect.scatter.add.f32 [tilespmem:s18], [sflag:$0x6], $0x40, s30, s16, $0xb8;
	[tilespmem:$0x1FC80] =	vst v63  }
0x53: {  	_ =	swait.ge [sflag:s26], $0x1C00  }
0x54: {  	[sflag:s26] =	ssyncset.done $0x0  }
0x55: {  	s30 =	simm.s32 $0x380;
	[sflag:s26] =	ssyncadd.s32 $0xFFFFE400  }
0x56: {  	[tilespmem:s17], [sflag:$0x1] =	stream.indirect.gather [spmem:s3], $0x40, s30, s16, $0xb8;
	[tilespmem:$0x1FC80] =	vst v63  }
0x57: {  	_ =	swait.ge [sflag:s29], $0x1C00  }
0x58: {  	[sflag:s29] =	ssyncset.done $0x0  }
0x59: {  	s30 =	simm.s32 $0x2AE0;
	[sflag:s29] =	ssyncadd.s32 $0xFFFFE400  }
0x5a: {  	[spmem:s2] =	stream.indirect.scatter.add.f32 [tilespmem:s20], [sflag:$0x7], $0x40, s30, s16, $0xb8;
	[tilespmem:$0x1FC80] =	vst v63  }
0x5b: {  	_ =	swait.ge [sflag:s31], $0x1C00  }
0x5c: {  	[sflag:s31] =	ssyncset.done $0x0  }
0x5d: {  	s30 =	simm.s32 $0x3F0;
	[sflag:s31] =	ssyncadd.s32 $0xFFFFE400  }
0x5e: {  	[tilespmem:s18], [sflag:$0x2] =	stream.indirect.gather [spmem:s3], $0x40, s30, s16, $0xb8;
	[tilespmem:$0x1FC80] =	vst v63  }
0x5f: {  	_ =	swait.ge [sflag:s0], $0x1C00  }
0x60: {  	[sflag:s0] =	ssyncset.done $0x0  }
0x61: {  	s28 =	simm.s32 $0x2B50;
	s19 =	simm.s32 $0x700;
	[sflag:s0] =	ssyncadd.s32 $0xFFFFE400  }
.LBB2_2:
0x62: {  	[spmem:s2] =	stream.indirect.scatter.add.f32 [tilespmem:s23], [sflag:$0x8], $0x40, s28, s16, $0xb8;
	[tilespmem:$0x1FC80] =	vst v63  }
0x63: {  	s28 =	smov.u32 s19;
	s19 =	sadd.s32 $0x700, s19;
	_ =	swait.ge [sflag:s22], $0x1C00  }
0x64: {  	s28 =	sshra.s32 s28, $0x2;
	p0 =	sne.s32 s19, $0x9300;
	[sflag:s22] =	ssyncset.done $0x0  }
0x65: {  	s30 =	sadd.s32 $0x2A0, s28;
	[sflag:s22] =	ssyncadd.s32 $0xFFFFE400  }
0x66: {  	[tilespmem:s20], [sflag:$0x3] =	stream.indirect.gather [spmem:s3], $0x40, s30, s16, $0xb8;
	[tilespmem:$0x1FC80] =	vst v63  }
0x67: {  	_ =	swait.ge [sflag:s21], $0x1C00  }
0x68: {  	[sflag:s21] =	ssyncset.done $0x0  }
0x69: {  	s30 =	sadd.s32 $0x2A00, s28;
	[sflag:s21] =	ssyncadd.s32 $0xFFFFE400  }
0x6a: {  	[spmem:s2] =	stream.indirect.scatter.add.f32 [tilespmem:s17], [sflag:$0x5], $0x40, s30, s16, $0xb8;
	[tilespmem:$0x1FC80] =	vst v63  }
0x6b: {  	_ =	swait.ge [sflag:s25], $0x1C00  }
0x6c: {  	[sflag:s25] =	ssyncset.done $0x0  }
0x6d: {  	s30 =	sadd.s32 $0x310, s28;
	[sflag:s25] =	ssyncadd.s32 $0xFFFFE400  }
0x6e: {  	[tilespmem:s23], [sflag:$0x4] =	stream.indirect.gather [spmem:s3], $0x40, s30, s16, $0xb8;
	[tilespmem:$0x1FC80] =	vst v63  }
0x6f: {  	_ =	swait.ge [sflag:s24], $0x1C00  }
0x70: {  	[sflag:s24] =	ssyncset.done $0x0  }
0x71: {  	s30 =	sadd.s32 $0x2A70, s28;
	[sflag:s24] =	ssyncadd.s32 $0xFFFFE400  }
0x72: {  	[spmem:s2] =	stream.indirect.scatter.add.f32 [tilespmem:s18], [sflag:$0x6], $0x40, s30, s16, $0xb8;
	[tilespmem:$0x1FC80] =	vst v63  }
0x73: {  	_ =	swait.ge [sflag:s26], $0x1C00  }
0x74: {  	[sflag:s26] =	ssyncset.done $0x0  }
0x75: {  	s30 =	sadd.s32 $0x380, s28;
	[sflag:s26] =	ssyncadd.s32 $0xFFFFE400  }
0x76: {  	[tilespmem:s17], [sflag:$0x1] =	stream.indirect.gather [spmem:s3], $0x40, s30, s16, $0xb8;
	[tilespmem:$0x1FC80] =	vst v63  }
0x77: {  	_ =	swait.ge [sflag:s29], $0x1C00  }
0x78: {  	[sflag:s29] =	ssyncset.done $0x0  }
0x79: {  	s30 =	sadd.s32 $0x2AE0, s28;
	[sflag:s29] =	ssyncadd.s32 $0xFFFFE400  }
0x7a: {  	[spmem:s2] =	stream.indirect.scatter.add.f32 [tilespmem:s20], [sflag:$0x7], $0x40, s30, s16, $0xb8;
	[tilespmem:$0x1FC80] =	vst v63  }
0x7b: {  	_ =	swait.ge [sflag:s31], $0x1C00  }
0x7c: {  	[sflag:s31] =	ssyncset.done $0x0  }
.Ltmp0:
0x7d: {  	s30 =	sadd.s32 $0x3F0, s28;
	[sflag:s31] =	ssyncadd.s32 $0xFFFFE400;
	(pc) =	sbr.rel @p0 .LBB2_2-.Ltmp0, $4  }
0x7e: {  	[tilespmem:s18], [sflag:$0x2] =	stream.indirect.gather [spmem:s3], $0x40, s30, s16, $0xb8;
	[tilespmem:$0x1FC80] =	vst v63  }
0x7f: {  	_ =	swait.ge [sflag:s0], $0x1C00  }
0x80: {  	[sflag:s0] =	ssyncset.done $0x0  }
0x81: {  	s28 =	sadd.s32 $0x2B50, s28;
	[sflag:s0] =	ssyncadd.s32 $0xFFFFE400  }
0x82: {  	[spmem:s2] =	stream.indirect.scatter.add.f32 [tilespmem:s23], [sflag:$0x8], $0x40, s28, s16, $0xb8;
	[tilespmem:$0x1FC80] =	vst v63  }
0x83: {  	_ =	swait.ge [sflag:s22], $0x1C00  }
0x84: {  	s19 =	sshra.s32 s19, $0x2;
	[sflag:s22] =	ssyncset.done $0x0  }
0x85: {  	s30 =	sadd.s32 $0x2A0, s19;
	[sflag:s22] =	ssyncadd.s32 $0xFFFFE400  }
0x86: {  	[tilespmem:s20], [sflag:$0x3] =	stream.indirect.gather [spmem:s3], $0x40, s30, s16, $0xb8;
	[tilespmem:$0x1FC80] =	vst v63  }
0x87: {  	_ =	swait.ge [sflag:s21], $0x1C00  }
0x88: {  	[sflag:s21] =	ssyncset.done $0x0  }
0x89: {  	s30 =	sadd.s32 $0x2A00, s19;
	[sflag:s21] =	ssyncadd.s32 $0xFFFFE400  }
0x8a: {  	[spmem:s2] =	stream.indirect.scatter.add.f32 [tilespmem:s17], [sflag:$0x5], $0x40, s30, s16, $0xb8;
	[tilespmem:$0x1FC80] =	vst v63  }
0x8b: {  	_ =	swait.ge [sflag:s25], $0x1C00  }
0x8c: {  	[sflag:s25] =	ssyncset.done $0x0  }
0x8d: {  	s30 =	simm.s32 $0x27D0;
	[sflag:s25] =	ssyncadd.s32 $0xFFFFE400  }
0x8e: {  	[tilespmem:s23], [sflag:$0x4] =	stream.indirect.gather [spmem:s3], $0x40, s30, s16, $0xb8;
	[tilespmem:$0x1FC80] =	vst v63  }
0x8f: {  	_ =	swait.ge [sflag:s24], $0x1C00  }
0x90: {  	[sflag:s24] =	ssyncset.done $0x0  }
0x91: {  	s30 =	sadd.s32 $0x2A70, s19;
	[sflag:s24] =	ssyncadd.s32 $0xFFFFE400  }
0x92: {  	[spmem:s2] =	stream.indirect.scatter.add.f32 [tilespmem:s18], [sflag:$0x6], $0x40, s30, s16, $0xb8;
	[tilespmem:$0x1FC80] =	vst v63  }
0x93: {  	_ =	swait.ge [sflag:s26], $0x1C00  }
0x94: {  	[sflag:s26] =	ssyncset.done $0x0  }
0x95: {  	[sflag:s26] =	ssyncadd.s32 $0xFFFFE400  }
0x96: {  	_ =	swait.ge [sflag:s29], $0x1C00  }
0x97: {  	[sflag:s29] =	ssyncset.done $0x0  }
0x98: {  	s19 =	sadd.s32 $0x2AE0, s19;
	[sflag:s29] =	ssyncadd.s32 $0xFFFFE400  }
0x99: {  	[spmem:s2] =	stream.indirect.scatter.add.f32 [tilespmem:s20], [sflag:$0x7], $0x40, s19, s16, $0xb8;
	[tilespmem:$0x1FC80] =	vst v63  }
0x9a: {  	_ =	swait.ge [sflag:s31], $0x1C00  }
0x9b: {  	[sflag:s31] =	ssyncset.done $0x0  }
0x9c: {  	[sflag:s31] =	ssyncadd.s32 $0xFFFFE400  }
0x9d: {  	_ =	swait.ge [sflag:s0], $0x1C00  }
0x9e: {  	[sflag:s0] =	ssyncset.done $0x0  }
0x9f: {  	s30 =	simm.s32 $0x5010;
	[sflag:s0] =	ssyncadd.s32 $0xFFFFE400  }
0xa0: {  	[spmem:s2] =	stream.indirect.scatter.add.f32 [tilespmem:s23], [sflag:$0x8], $0x40, s30, s16, $0xb8;
	[tilespmem:$0x1FC80] =	vst v63  }
0xa1: {  	_ =	swait.ge [sflag:s22], $0x1C00  }
0xa2: {  	[sflag:s22] =	ssyncset.done $0x0  }
0xa3: {  	[sflag:s22] =	ssyncadd.s32 $0xFFFFE400  }
0xa4: {  	_ =	swait.ge [sflag:s25], $0x1C00  }
0xa5: {  	s1 =	sadd.s32 $0x1, s1;
	[sflag:s25] =	ssyncset.done $0x0  }
0xa6: {  	p0 =	sne.s32 s1, s11;
	[sflag:s25] =	ssyncadd.s32 $0xFFFFE400  }
.Ltmp1:
0xa7: {  	[bflag:$0x0] =	sbarrier.arrive $0xFFFF;
	(pc) =	sbr.rel @p0 .LBB2_1-.Ltmp1, $4  }
0xa8: {  	[hbm:s10], [sflag:s6] =	dma.local [spmem:s12], $0x13C0  }
0xa9: {  	_ =	swait.ge [sflag:s13], $0x13C0  }
0xaa: {  	[sflag:s13] =	ssyncset.done $0x0  }
0xab: {  	[sflag:s13] =	ssyncadd.s32 $0xFFFFEC40  }
0xac: {  	_ =	sfence.sel $0x180000  }
0xad: {  	[bflag:$0x0] =	sbarrier.arrive $0xFFFF  }
0xae: {  	_ =	strace $0x9000004A  }
0xaf: {  	s0 =	stileid.u32;
	[bflag:$0x2] =	sbarrier.arrive $0xFFFF  }
0xb0: {  	p0 =	sne.s32 s0, $0x0;
	s0 =	rddreg [dreg:$0x4]  }
0xb1: {  	s0 =	sadd.s32 @!p0 $0x100000, s0  }
0xb2: {  	[sflag:s0] =	ssyncadd.tile.s32 @!p0 $0x1;
	_ =	shalt  }
.Lfunc_end2:
_tile_overlayer_lowered:
.L_overlay_start_2:
0xb3: {  	(tag) =	ssettag $0x2  }
0xb4: {  	s0 =	rddreg [dreg:$0x0];
	s2 =	stileid.u32  }
0xb5: {  	s1 =	rddreg [dreg:$0x1];
	p0 =	sne.s32 s2, $0x0  }
0xb6: {  	s3 =	rddreg [dreg:$0x2];
	[bflag:$0x3] =	sbarrier.arrive $0xFFFF;
	s2 =	simm.s32 @!p0 $0x1C09  }
0xb7: {  	[timem:s3], [sflag:s2] =	dma.local @!p0 [hbm:s0], s1  }
0xb8: {  	s0 =	simm.s32 @!p0 $0x9  }
0xb9: {  	_ =	swait.ge @!p0 [sflag:s0], s1  }
0xba: {  	s1 =	ssub.s32 @!p0 $0x0, s1;
	[sflag:s0] =	ssyncset.done @!p0 $0x0  }
0xbb: {  	[sflag:s0] =	ssyncadd.s32 @!p0 s1  }
0xbc: {  	[bflag:$0x3] =	sbarrier.arrive $0xFFFF  }
0xbd: {  	_ =	shalt  }

// kernel: kernel.14.cloned.1.call-start
scs
__scs_entry_jumppad:
0x0: {  	(pc) =	sbr.rel $0x88, $3  }
0x1: {  	(tag) =	ssettag $0x0;
	lr =	simm.s32 $0x1  }
0x2: {  	[smem:$0x3F9E] =	sst lr;
	_ =	strace $0xD0000000  }
0x3: {  	_ = 	snop  }
0x4: {  	_ = 	snop  }
0x5: {  	_ = 	snop  }
0x6: {  	_ = 	snop  }
0x7: {  	_ = 	snop  }
__scs_overlays_trampoline_lowered:
0x8: {  	[smem:$0x3FAD] =	sst s0  }
0x9: {  	[smem:$0x3FAE] =	sst s1  }
0xa: {  	[smem:$0x3FAF] =	sst s2  }
0xb: {  	[smem:$0x3FB0] =	sst s3  }
0xc: {  	[smem:$0x3FB1] =	sst s4  }
0xd: {  	[smem:$0x3FB2] =	sst s5  }
0xe: {  	[smem:$0x3FB3] =	sst s6  }
0xf: {  	[smem:$0x3FB4] =	sst s7  }
0x10: {  	[smem:$0x3FB5] =	sst s8  }
0x11: {  	[smem:$0x3FB6] =	sst s9;
	s0 =	simm.s32 @!p0 $0x0  }
0x12: {  	s1 =	sld [smem:$0x3F9C];
	s0 =	simm.s32 @p0 $0x1  }
0x13: {  	[smem:$0x3FB7] =	sst s0;
	s0 =	simm.s32 @!p1 $0x0  }
0x14: {  	s2 =	sld [smem:$0x3F9B];
	s0 =	simm.s32 @p1 $0x1  }
0x15: {  	[smem:$0x3FB8] =	sst s0;
	s0 =	simm.s32 @!p2 $0x0  }
0x16: {  	s3 =	sld [smem:$0x3FDB];
	s0 =	simm.s32 @p2 $0x1  }
0x17: {  	s4 =	simm.s32 $0x1BF5;
	[smem:$0x3FBA] =	sst s0  }
0x18: {  	s0 =	sld [smem:$0x3F9D];
	_ =	swait.ge [sflag:s4], $0x0  }
0x19: {  	s7 =	sld [smem:$0x3F9E]  }
0x1a: {  	s8 =	sadd.s32 $0xFFFFE003, lr  }
0x1b: {  	s9 =	sadd.s32 $0xFFFFFEF7, lr;
	s5 =	simm.s32 $0xFFFFFFFF;
	p2 =	slt.u32 s8, $0xFFFFF086  }
0x1c: {  	p1 =	slt.u32 s9, $0xF7A;
	s5 =	simm.s32 @!p2 $0x0  }
0x1d: {  	s5 =	simm.s32 @p1 $0x1;
	p0 =	seq.s32 s7, s2  }
0x1e: {  	s7 =	smul.u32 @!p0 $0xF7A, s2;
	p2 =	seq.s32 @!p0 s5, $0x0  }
0x1f: {  	s9 =	smul.u32 $0xF7A, s1;
	s8 =	simm.s32 @!p0 $0x1BF5;
	p2 =	por !p2, p0  }
0x20: {  	[sflag:s8] =	ssyncset.s32 @!p0 $0xFFFFF086;
	s6 =	sadd.s32 @!p0 s3, s7;
	s7 =	simm.s32 @!p0 $0x108  }
0x21: {  	s3 =	sadd.s32 s3, s9;
	s6 =	sadd.s32 @!p0 $0x88, s6;
	s7 =	simm.s32 @p2 $0x1082  }
0x22: {  	[simem:s7], [sflag:s8] =	dma.local @!p0 [hbm:s6], $0xF7A  }
0x23: {  	s9 =	sor.u32 $0xD0000000, s2;
	s6 =	simm.s32 $0x108;
	_ =	swait.ge @!p0 [sflag:s8], $0x0  }
0x24: {  	s3 =	sadd.s32 $0x88, s3;
	s6 =	simm.s32 @!p1 $0x1082;
	[sflag:s4] =	ssyncset.s32 $0xFFFFF086  }
0x25: {  	[simem:s6], [sflag:s4] =	dma.local [hbm:s3], $0xF7A  }
0x26: {  	[smem:$0x3F9E] =	sst s1;
	(tag) =	ssettag s2;
	_ =	strace s9  }
0x27: {  	s1 =	sld [smem:$0x3FAE]  }
0x28: {  	s2 =	sld [smem:$0x3FAF]  }
0x29: {  	s4 =	sld [smem:$0x3FB1]  }
0x2a: {  	p0 =	seq.s32 s5, $0x0;
	s5 =	sld [smem:$0x3FB2]  }
0x2b: {  	s6 =	sld [smem:$0x3FB3]  }
0x2c: {  	s7 =	sld [smem:$0x3FB4]  }
0x2d: {  	s3 =	simm.s32 $0x108;
	s8 =	sld [smem:$0x3FB5]  }
0x2e: {  	s3 =	simm.s32 @!p0 $0x1082;
	s9 =	sld [smem:$0x3FB6]  }
0x2f: {  	lr =	sadd.s32 s0, s3;
	s0 =	sld [smem:$0x3FAD]  }
0x30: {  	s3 =	sld [smem:$0x3FB0]  }
0x31: {  	[smem:$0x3FB9] =	sst s10  }
0x32: {  	s10 =	sld [smem:$0x3FB7];
	_ =	sdelay $0x3  }
0x33: {  	p0 =	seq.s32 s10, $0x1;
	s10 =	sld [smem:$0x3FB9];
	_ =	sdelay $0x3  }
0x34: {  	[smem:$0x3FB9] =	sst s10  }
0x35: {  	s10 =	sld [smem:$0x3FB8];
	_ =	sdelay $0x3  }
0x36: {  	p1 =	seq.s32 s10, $0x1;
	s10 =	sld [smem:$0x3FB9];
	_ =	sdelay $0x3  }
0x37: {  	[smem:$0x3FB9] =	sst s10  }
0x38: {  	s10 =	sld [smem:$0x3FBA]  }
0x39: {  	_ = 	snop;
	(pc) =	sbr.ind lr, $3  }
0x3a: {  	_ = 	snop  }
0x3b: {  	_ = 	snop  }
0x3c: {  	p2 =	seq.s32 s10, $0x1;
	s10 =	sld [smem:$0x3FB9]  }
0x3d: {  	_ =	shalt  }
0x3e: {  	_ =	shalt  }
0x3f: {  	_ =	shalt  }
0x40: {  	_ =	shalt  }
0x41: {  	_ =	shalt  }
0x42: {  	_ =	shalt  }
0x43: {  	_ =	shalt  }
0x44: {  	_ =	shalt  }
0x45: {  	_ =	shalt  }
0x46: {  	_ =	shalt  }
0x47: {  	_ =	shalt  }
0x48: {  	_ =	shalt  }
0x49: {  	_ =	shalt  }
0x4a: {  	_ =	shalt  }
0x4b: {  	_ =	shalt  }
0x4c: {  	_ =	shalt  }
0x4d: {  	_ =	shalt  }
0x4e: {  	_ =	shalt  }
0x4f: {  	_ =	shalt  }
0x50: {  	_ =	shalt  }
0x51: {  	_ =	shalt  }
0x52: {  	_ =	shalt  }
0x53: {  	_ =	shalt  }
0x54: {  	_ =	shalt  }
0x55: {  	_ =	shalt  }
0x56: {  	_ =	shalt  }
0x57: {  	_ =	shalt  }
0x58: {  	_ =	shalt  }
0x59: {  	_ =	shalt  }
0x5a: {  	_ =	shalt  }
0x5b: {  	_ =	shalt  }
0x5c: {  	_ =	shalt  }
0x5d: {  	_ =	shalt  }
0x5e: {  	_ =	shalt  }
0x5f: {  	_ =	shalt  }
0x60: {  	_ =	shalt  }
0x61: {  	_ =	shalt  }
0x62: {  	_ =	shalt  }
0x63: {  	_ =	shalt  }
0x64: {  	_ =	shalt  }
0x65: {  	_ =	shalt  }
0x66: {  	_ =	shalt  }
0x67: {  	_ =	shalt  }
0x68: {  	_ =	shalt  }
0x69: {  	_ =	shalt  }
0x6a: {  	_ =	shalt  }
0x6b: {  	_ =	shalt  }
0x6c: {  	_ =	shalt  }
0x6d: {  	_ =	shalt  }
0x6e: {  	_ =	shalt  }
0x6f: {  	_ =	shalt  }
0x70: {  	_ =	shalt  }
0x71: {  	_ =	shalt  }
0x72: {  	_ =	shalt  }
0x73: {  	_ =	shalt  }
0x74: {  	_ =	shalt  }
0x75: {  	_ =	shalt  }
0x76: {  	_ =	shalt  }
0x77: {  	_ =	shalt  }
0x78: {  	_ =	shalt  }
0x79: {  	_ =	shalt  }
0x7a: {  	_ =	shalt  }
0x7b: {  	_ =	shalt  }
0x7c: {  	_ =	shalt  }
0x7d: {  	_ =	shalt  }
0x7e: {  	_ =	shalt  }
0x7f: {  	_ =	shalt  }
0x80: {  	_ =	shalt  }
0x81: {  	_ =	shalt  }
0x82: {  	_ =	shalt  }
0x83: {  	_ =	shalt  }
0x84: {  	_ =	shalt  }
0x85: {  	_ =	shalt  }
0x86: {  	_ =	shalt  }
0x87: {  	_ =	shalt  }
.Lfunc_end0:
.L_simem_size_0:
called_computation.2_lowered:
.L_overlay_start_0:
0x88: {  	s2 =	sld [smem:$0x3FD9]  }
0x89: {  	s3 =	sld [smem:$0x3FFE];
	_ =	sdelay $0x1  }
0x8a: {  	s1 =	srdreg.scid  }
0x8b: {  	s0 =	sand.u32 $0x1, s1  }
0x8c: {  	s17 =	sshll.u32 s0, $0xA;
	s2 =	sadd.s32 s3, s2  }
0x8d: {  	s2 =	sadd.s32 s2, s17  }
0x8e: {  	[smem:$0x3FC5] =	sst s2  }
0x8f: {  	_ = 	snop  }
0x90: {  	s2 =	sld [smem:$0x3FD0];
	(tm) =	ssettm $0x1  }
0x91: {  	s18 =	sld [smem:$0x3FFB];
	_ =	sdelay $0x3  }
0x92: {  	_ =	strace s18  }
0x93: {  	s3 =	sld [smem:$0x3FFC];
	_ =	sdelay $0x3  }
0x94: {  	_ =	strace s3  }
0x95: {  	s3 =	sld [smem:$0x3FFD];
	_ =	sdelay $0x3  }
0x96: {  	_ =	strace s3  }
0x97: {  	_ =	strace $0x8FFFFFFF  }
0x98: {  	s19 =	sld [smem:$0x3FDB];
	_ =	sdelay $0x1  }
0x99: {  	s4 =	simm.s32 $_scs_section_size  }
0x9a: {  	s5 =	simm.s32 $_size__tile_overlayer_lowered;
	s6 =	simm.s32 $_tile_overlayer_lowered  }
0x9b: {  	s22 =	simm.s32 $0x1BFF;
	s21 =	sshll.u32 s6, $0x1;
	s3 =	sadd.s32 s4, s19  }
0x9c: {  	s7 =	simm.s32 $0x0;
	s20 =	sshll.u32 s5, $0x1;
	s5 =	sadd.s32 s21, s3  }
0x9d: {  	[timem:s7], [sflag:s22] =	dma.local [hbm:s5], s20  }
0x9e: {  	_ =	swait.ge [sflag:s22], s20  }
0x9f: {  	s4 =	ssub.s32 $0x0, s20;
	[sflag:s22] =	ssyncset.done $0x0  }
0xa0: {  	[sflag:s22] =	ssyncadd.s32 s4;
	_ =	sdelay $0x1  }
0xa1: {  	s23 =	simm.s32 $0x1B8B  }
0xa2: {  	_ =	swait.ge [sflag:s23], $0x1  }
0xa3: {  	[sflag:s23] =	ssyncset.done $0x0  }
0xa4: {  	s25 =	simm.s32 $0x1B8E;
	s24 =	sld [smem:$0x3FFE];
	[sflag:s23] =	ssyncadd.s32 $0xFFFFFFFF  }
0xa5: {  	s26 =	simm.s32 $execute0_lowered;
	[smem:$0x3FD2] =	sst s25  }
0xa6: {  	s5 =	sshll.u32 s26, $0x1;
	_ =	strace $0x8000004C;
	[dreg:$0x1] =	wrdreg $0xFFFFFFFF  }
0xa7: {  	s28 =	simm.s32 $_size_execute0_lowered;
	s3 =	sadd.s32 s3, s5;
	[dreg:$0x0] =	wrdreg $0x0  }
0xa8: {  	s5 =	sshll.u32 s28, $0x1;
	[dreg:$0x2] =	wrdreg s3  }
0xa9: {  	[dreg:$0x3] =	wrdreg s5  }
0xaa: {  	[dreg:$0x4] =	wrdreg $0xC0  }
0xab: {  	_ =	task [dreg:s7], $0x5FFFF  }
0xac: {  	[dreg:$0x1] =	wrdreg $0xFFFFFFFF  }
0xad: {  	[dreg:$0x0] =	wrdreg $0x60  }
0xae: {  	[dreg:$0x2] =	wrdreg s2  }
0xaf: {  	[dreg:$0x3] =	wrdreg s24  }
0xb0: {  	[dreg:$0x4] =	wrdreg $0x15E800  }
0xb1: {  	[dreg:$0x5] =	wrdreg $0xC0800  }
0xb2: {  	[dreg:$0x6] =	wrdreg $0x9  }
0xb3: {  	_ =	task.clear_ibuf [dreg:s7], $0x7FFFF;
	_ =	strace $0x9000004C  }
0xb4: {  	s29 =	simm.s32 $0x9;
	_ =	strace $0x8000004E  }
0xb5: {  	_ =	swait.ge [sflag:s29], $0x1  }
0xb6: {  	[sflag:s29] =	ssyncadd.s32 $0xFFFFFFFF  }
0xb7: {  	_ =	strace $0x9000004E  }
0xb8: {  	_ =	sfence  }
0xb9: {  	s30 =	sld [smem:$0x0];
	_ =	sdelay $0x2  }
0xba: {  	s31 =	sshll.u32 s1, $0xD;
	s1 =	sshrl.u32 s1, $0x2  }
0xbb: {  	s3 =	sand.u32 $0x4000, s31;
	s1 =	sadd.s32 s1, s30  }
0xbc: {  	s0 =	sor.u32 s3, s0;
	s1 =	sshll.u32 s1, $0x11  }
0xbd: {  	s0 =	sor.u32 s1, s0  }
0xbe: {  	s0 =	sadd.s32 $0x8F2B, s0  }
0xbf: {  	[sflag:s0] =	ssyncadd.remote.s32 $0x1  }
0xc0: {  	_ =	sfence.sel $0xFFFF  }
0xc1: {  	[dreg:$0x0] =	wrdreg $0xFFFFFFFF;
	(pc) =	sbr.abs _section_cstart, $3  }
0xc2: {  	[dreg:$0x1] =	wrdreg $0xFFFFFFFF  }
0xc3: {  	_ =	task.clear_ibuf [dreg:s7], $0x2FFFF;
	_ =	strace $0x9FFFFFFF  }
0xc4: {  	(tm) =	ssettm $0x7FFFFFFF  }
0xc5: {  	_ =	shalt  }
tec
execute0_lowered:
.L_overlay_start_1:
0x0: {  	(tag) =	ssettag $0x1  }
0x1: {  	s0 =	srdreg.scid;
	s1 =	rddreg [dreg:$0x0]  }
0x2: {  	s5 =	rddreg [dreg:$0x1];
	s13 =	stileid.u32  }
0x3: {  	s2 =	rddreg [dreg:$0x2];
	s15 =	simm.s32 $0x2840;
	s16 =	simm.s32 $0x70  }
0x4: {  	s17 =	simm.s32 $0x5080;
	s18 =	simm.s32 $0x6C80;
	s20 =	simm.s32 $0x8880  }
0x5: {  	s21 =	simm.s32 $0x1;
	s23 =	simm.s32 $0xA480;
	s24 =	simm.s32 $0x2  }
0x6: {  	s29 =	simm.s32 $0x3;
	s31 =	simm.s32 $0x6;
	s22 =	simm.s32 $0x7  }
0x7: {  	s0 =	sand.u32 $0x1, s0;
	s7 =	smul.u32 $0x9E00, s13;
	s28 =	sshll.u32 s13, $0x6  }
0x8: {  	s3 =	sshll.u32 s0, $0x4;
	s8 =	smul.u32 $0x9E000, s0;
	s0 =	ssub.s32 $0x2, s0  }
0x9: {  	s4 =	sor.u32 s13, s3;
	s3 =	rddreg [dreg:$0x3];
	s10 =	sshrl.u32 s7, $0x3  }
0xa: {  	s11 =	sshrl.u32 s0, $0x1;
	s30 =	sadd.s32 s7, s2;
	s13 =	simm.s32 $0x9  }
0xb: {  	s6 =	smul.u32 $0x508, s4;
	s4 =	simm.s32 $0x0;
	s25 =	sadd.s32 s7, s8  }
0xc: {  	s26 =	sadd.s32 s10, s5;
	s0 =	ssub.s32 s0, s11;
	s14 =	sadd.s32 s7, s3  }
0xd: {  	s7 =	sadd.s32 s1, s10;
	s1 =	simm.s32 $0x0;
	[smem:$0x7FF] =	sst s4  }
0xe: {  	s11 =	smax.u32 s0, $0x1;
	s14 =	sshrl.u32 s14, $0x3;
	s0 =	simm.s32 $0x4  }
0xf: {  	_ =	strace $0x8000004D;
	s9 =	sadd.s32 s6, s5;
	s6 =	sshrl.u32 s25, $0x3  }
0x10: {  	s25 =	simm.s32 $0x8;
	s12 =	sadd.s32 s6, s5;
	s5 =	sadd.s32 $0x15400, s26  }
0x11: {  	s6 =	sor.u32 $0x1C09, s28;
	s8 =	sadd.s32 $0xB200, s9;
	s9 =	sadd.s32 $0x1000, s9  }
0x12: {  	s26 =	simm.s32 $0x5;
	s10 =	sadd.s32 $0x29000, s12;
	s12 =	sshrl.u32 s30, $0x3  }
.LBB2_1:
0x13: {  	[spmem:s12], [sflag:s6] =	dma.local [hbm:s5], $0x13C0  }
0x14: {  	_ =	swait.ge [sflag:s13], $0x13C0  }
0x15: {  	[sflag:s13] =	ssyncset.done $0x0  }
0x16: {  	[sflag:s13] =	ssyncadd.s32 $0xFFFFEC40  }
0x17: {  	[spmem:s14], [sflag:s6] =	dma.local [hbm:s7], $0x13C0  }
0x18: {  	_ =	swait.ge [sflag:s13], $0x13C0  }
0x19: {  	[sflag:s13] =	ssyncset.done $0x0  }
0x1a: {  	[sflag:s13] =	ssyncadd.s32 $0xFFFFEC40  }
0x1b: {  	[tilespmem:s4], [sflag:$0x9] =	stream.linear.gather [hbm4b:s8+s4], $0x2840, $0x38;
	[tilespmem:$0x1FC80] =	vst v63  }
0x1c: {  	_ =	swait.ge [sflag:s13], $0x2840  }
0x1d: {  	[sflag:s13] =	ssyncset.done $0x0  }
0x1e: {  	[sflag:s13] =	ssyncadd.s32 $0xFFFFD7C0  }
0x1f: {  	[tilespmem:s15], [sflag:$0x9] =	stream.linear.gather [hbm4b:s9+s4], $0x2840, $0x38;
	[tilespmem:$0x1FC80] =	vst v63  }
0x20: {  	_ =	swait.ge [sflag:s13], $0x2840  }
0x21: {  	[sflag:s13] =	ssyncset.done $0x0  }
0x22: {  	[sflag:s13] =	ssyncadd.s32 $0xFFFFD7C0  }
0x23: {  	[bflag:$0x0] =	sbarrier.arrive $0xFFFF  }
0x24: {  	[tilespmem:s17], [sflag:$0x1] =	stream.indirect.gather [spmem:s3], $0x40, s4, s16, $0xb8;
	[tilespmem:$0x1FC80] =	vst v63  }
0x25: {  	_ = 	snop  }
0x26: {  	[tilespmem:s18], [sflag:$0x2] =	stream.indirect.gather [spmem:s3], $0x40, s16, s16, $0xb8;
	[tilespmem:$0x1FC80] =	vst v63  }
0x27: {  	s19 =	simm.s32 $0xE0  }
0x28: {  	[tilespmem:s20], [sflag:$0x3] =	stream.indirect.gather [spmem:s3], $0x40, s19, s16, $0xb8;
	[tilespmem:$0x1FC80] =	vst v63  }
0x29: {  	_ =	swait.ge [sflag:s21], $0x1C00  }
0x2a: {  	[sflag:s21] =	ssyncset.done $0x0  }
0x2b: {  	[sflag:s21] =	ssyncadd.s32 $0xFFFFE400  }
0x2c: {  	[spmem:s2] =	stream.indirect.scatter.add.f32 [tilespmem:s17], [sflag:$0x5], $0x40, s15, s16, $0xb8;
	[tilespmem:$0x1FC80] =	vst v63  }
0x2d: {  	s30 =	simm.s32 $0x150  }
0x2e: {  	[tilespmem:s23], [sflag:$0x4] =	stream.indirect.gather [spmem:s3], $0x40, s30, s16, $0xb8;
	[tilespmem:$0x1FC80] =	vst v63  }
0x2f: {  	_ =	swait.ge [sflag:s24], $0x1C00  }
0x30: {  	[sflag:s24] =	ssyncset.done $0x0  }
0x31: {  	s30 =	simm.s32 $0x28B0;
	[sflag:s24] =	ssyncadd.s32 $0xFFFFE400  }
0x32: {  	[spmem:s2] =	stream.indirect.scatter.add.f32 [tilespmem:s18], [sflag:$0x6], $0x40, s30, s16, $0xb8;
	[tilespmem:$0x1FC80] =	vst v63  }
0x33: {  	_ =	swait.ge [sflag:s26], $0x1C00  }
0x34: {  	[sflag:s26] =	ssyncset.done $0x0  }
0x35: {  	s30 =	simm.s32 $0x1C0;
	[sflag:s26] =	ssyncadd.s32 $0xFFFFE400  }
0x36: {  	[tilespmem:s17], [sflag:$0x1] =	stream.indirect.gather [spmem:s3], $0x40, s30, s16, $0xb8;
	[tilespmem:$0x1FC80] =	vst v63  }
0x37: {  	_ =	swait.ge [sflag:s29], $0x1C00  }
0x38: {  	[sflag:s29] =	ssyncset.done $0x0  }
0x39: {  	s30 =	simm.s32 $0x2920;
	[sflag:s29] =	ssyncadd.s32 $0xFFFFE400  }
0x3a: {  	[spmem:s2] =	stream.indirect.scatter.add.f32 [tilespmem:s20], [sflag:$0x7], $0x40, s30, s16, $0xb8;
	[tilespmem:$0x1FC80] =	vst v63  }
0x3b: {  	_ =	swait.ge [sflag:s31], $0x1C00  }
0x3c: {  	[sflag:s31] =	ssyncset.done $0x0  }
0x3d: {  	s30 =	simm.s32 $0x230;
	[sflag:s31] =	ssyncadd.s32 $0xFFFFE400  }
0x3e: {  	[tilespmem:s18], [sflag:$0x2] =	stream.indirect.gather [spmem:s3], $0x40, s30, s16, $0xb8;
	[tilespmem:$0x1FC80] =	vst v63  }
0x3f: {  	_ =	swait.ge [sflag:s0], $0x1C00  }
0x40: {  	[sflag:s0] =	ssyncset.done $0x0  }
0x41: {  	s30 =	simm.s32 $0x2990;
	[sflag:s0] =	ssyncadd.s32 $0xFFFFE400  }
0x42: {  	[spmem:s2] =	stream.indirect.scatter.add.f32 [tilespmem:s23], [sflag:$0x8], $0x40, s30, s16, $0xb8;
	[tilespmem:$0x1FC80] =	vst v63  }
0x43: {  	_ =	swait.ge [sflag:s22], $0x1C00  }
0x44: {  	[sflag:s22] =	ssyncset.done $0x0  }
0x45: {  	s30 =	simm.s32 $0x2A0;
	[sflag:s22] =	ssyncadd.s32 $0xFFFFE400  }
0x46: {  	[tilespmem:s20], [sflag:$0x3] =	stream.indirect.gather [spmem:s3], $0x40, s30, s16, $0xb8;
	[tilespmem:$0x1FC80] =	vst v63  }
0x47: {  	_ =	swait.ge [sflag:s21], $0x1C00  }
0x48: {  	[sflag:s21] =	ssyncset.done $0x0  }
0x49: {  	s30 =	simm.s32 $0x2A00;
	[sflag:s21] =	ssyncadd.s32 $0xFFFFE400  }
0x4a: {  	[spmem:s2] =	stream.indirect.scatter.add.f32 [tilespmem:s17], [sflag:$0x5], $0x40, s30, s16, $0xb8;
	[tilespmem:$0x1FC80] =	vst v63  }
0x4b: {  	_ =	swait.ge [sflag:s25], $0x1C00  }
0x4c: {  	[sflag:s25] =	ssyncset.done $0x0  }
0x4d: {  	s30 =	simm.s32 $0x310;
	[sflag:s25] =	ssyncadd.s32 $0xFFFFE400  }
0x4e: {  	[tilespmem:s23], [sflag:$0x4] =	stream.indirect.gather [spmem:s3], $0x40, s30, s16, $0xb8;
	[tilespmem:$0x1FC80] =	vst v63  }
0x4f: {  	_ =	swait.ge [sflag:s24], $0x1C00  }
0x50: {  	[sflag:s24] =	ssyncset.done $0x0  }
0x51: {  	s30 =	simm.s32 $0x2A70;
	[sflag:s24] =	ssyncadd.s32 $0xFFFFE400  }
0x52: {  	[spmem:s2] =	stream.indirect.scatter.add.f32 [tilespmem:s18], [sflag:$0x6], $0x40, s30, s16, $0xb8;
	[tilespmem:$0x1FC80] =	vst v63  }
0x53: {  	_ =	swait.ge [sflag:s26], $0x1C00  }
0x54: {  	[sflag:s26] =	ssyncset.done $0x0  }
0x55: {  	s30 =	simm.s32 $0x380;
	[sflag:s26] =	ssyncadd.s32 $0xFFFFE400  }
0x56: {  	[tilespmem:s17], [sflag:$0x1] =	stream.indirect.gather [spmem:s3], $0x40, s30, s16, $0xb8;
	[tilespmem:$0x1FC80] =	vst v63  }
0x57: {  	_ =	swait.ge [sflag:s29], $0x1C00  }
0x58: {  	[sflag:s29] =	ssyncset.done $0x0  }
0x59: {  	s30 =	simm.s32 $0x2AE0;
	[sflag:s29] =	ssyncadd.s32 $0xFFFFE400  }
0x5a: {  	[spmem:s2] =	stream.indirect.scatter.add.f32 [tilespmem:s20], [sflag:$0x7], $0x40, s30, s16, $0xb8;
	[tilespmem:$0x1FC80] =	vst v63  }
0x5b: {  	_ =	swait.ge [sflag:s31], $0x1C00  }
0x5c: {  	[sflag:s31] =	ssyncset.done $0x0  }
0x5d: {  	s30 =	simm.s32 $0x3F0;
	[sflag:s31] =	ssyncadd.s32 $0xFFFFE400  }
0x5e: {  	[tilespmem:s18], [sflag:$0x2] =	stream.indirect.gather [spmem:s3], $0x40, s30, s16, $0xb8;
	[tilespmem:$0x1FC80] =	vst v63  }
0x5f: {  	_ =	swait.ge [sflag:s0], $0x1C00  }
0x60: {  	[sflag:s0] =	ssyncset.done $0x0  }
0x61: {  	s28 =	simm.s32 $0x2B50;
	s19 =	simm.s32 $0x700;
	[sflag:s0] =	ssyncadd.s32 $0xFFFFE400  }
.LBB2_2:
0x62: {  	[spmem:s2] =	stream.indirect.scatter.add.f32 [tilespmem:s23], [sflag:$0x8], $0x40, s28, s16, $0xb8;
	[tilespmem:$0x1FC80] =	vst v63  }
0x63: {  	s28 =	smov.u32 s19;
	s19 =	sadd.s32 $0x700, s19;
	_ =	swait.ge [sflag:s22], $0x1C00  }
0x64: {  	s28 =	sshra.s32 s28, $0x2;
	p0 =	sne.s32 s19, $0x9300;
	[sflag:s22] =	ssyncset.done $0x0  }
0x65: {  	s30 =	sadd.s32 $0x2A0, s28;
	[sflag:s22] =	ssyncadd.s32 $0xFFFFE400  }
0x66: {  	[tilespmem:s20], [sflag:$0x3] =	stream.indirect.gather [spmem:s3], $0x40, s30, s16, $0xb8;
	[tilespmem:$0x1FC80] =	vst v63  }
0x67: {  	_ =	swait.ge [sflag:s21], $0x1C00  }
0x68: {  	[sflag:s21] =	ssyncset.done $0x0  }
0x69: {  	s30 =	sadd.s32 $0x2A00, s28;
	[sflag:s21] =	ssyncadd.s32 $0xFFFFE400  }
0x6a: {  	[spmem:s2] =	stream.indirect.scatter.add.f32 [tilespmem:s17], [sflag:$0x5], $0x40, s30, s16, $0xb8;
	[tilespmem:$0x1FC80] =	vst v63  }
0x6b: {  	_ =	swait.ge [sflag:s25], $0x1C00  }
0x6c: {  	[sflag:s25] =	ssyncset.done $0x0  }
0x6d: {  	s30 =	sadd.s32 $0x310, s28;
	[sflag:s25] =	ssyncadd.s32 $0xFFFFE400  }
0x6e: {  	[tilespmem:s23], [sflag:$0x4] =	stream.indirect.gather [spmem:s3], $0x40, s30, s16, $0xb8;
	[tilespmem:$0x1FC80] =	vst v63  }
0x6f: {  	_ =	swait.ge [sflag:s24], $0x1C00  }
0x70: {  	[sflag:s24] =	ssyncset.done $0x0  }
0x71: {  	s30 =	sadd.s32 $0x2A70, s28;
	[sflag:s24] =	ssyncadd.s32 $0xFFFFE400  }
0x72: {  	[spmem:s2] =	stream.indirect.scatter.add.f32 [tilespmem:s18], [sflag:$0x6], $0x40, s30, s16, $0xb8;
	[tilespmem:$0x1FC80] =	vst v63  }
0x73: {  	_ =	swait.ge [sflag:s26], $0x1C00  }
0x74: {  	[sflag:s26] =	ssyncset.done $0x0  }
0x75: {  	s30 =	sadd.s32 $0x380, s28;
	[sflag:s26] =	ssyncadd.s32 $0xFFFFE400  }
0x76: {  	[tilespmem:s17], [sflag:$0x1] =	stream.indirect.gather [spmem:s3], $0x40, s30, s16, $0xb8;
	[tilespmem:$0x1FC80] =	vst v63  }
0x77: {  	_ =	swait.ge [sflag:s29], $0x1C00  }
0x78: {  	[sflag:s29] =	ssyncset.done $0x0  }
0x79: {  	s30 =	sadd.s32 $0x2AE0, s28;
	[sflag:s29] =	ssyncadd.s32 $0xFFFFE400  }
0x7a: {  	[spmem:s2] =	stream.indirect.scatter.add.f32 [tilespmem:s20], [sflag:$0x7], $0x40, s30, s16, $0xb8;
	[tilespmem:$0x1FC80] =	vst v63  }
0x7b: {  	_ =	swait.ge [sflag:s31], $0x1C00  }
0x7c: {  	[sflag:s31] =	ssyncset.done $0x0  }
.Ltmp0:
0x7d: {  	s30 =	sadd.s32 $0x3F0, s28;
	[sflag:s31] =	ssyncadd.s32 $0xFFFFE400;
	(pc) =	sbr.rel @p0 .LBB2_2-.Ltmp0, $4  }
0x7e: {  	[tilespmem:s18], [sflag:$0x2] =	stream.indirect.gather [spmem:s3], $0x40, s30, s16, $0xb8;
	[tilespmem:$0x1FC80] =	vst v63  }
0x7f: {  	_ =	swait.ge [sflag:s0], $0x1C00  }
0x80: {  	[sflag:s0] =	ssyncset.done $0x0  }
0x81: {  	s28 =	sadd.s32 $0x2B50, s28;
	[sflag:s0] =	ssyncadd.s32 $0xFFFFE400  }
0x82: {  	[spmem:s2] =	stream.indirect.scatter.add.f32 [tilespmem:s23], [sflag:$0x8], $0x40, s28, s16, $0xb8;
	[tilespmem:$0x1FC80] =	vst v63  }
0x83: {  	_ =	swait.ge [sflag:s22], $0x1C00  }
0x84: {  	s19 =	sshra.s32 s19, $0x2;
	[sflag:s22] =	ssyncset.done $0x0  }
0x85: {  	s30 =	sadd.s32 $0x2A0, s19;
	[sflag:s22] =	ssyncadd.s32 $0xFFFFE400  }
0x86: {  	[tilespmem:s20], [sflag:$0x3] =	stream.indirect.gather [spmem:s3], $0x40, s30, s16, $0xb8;
	[tilespmem:$0x1FC80] =	vst v63  }
0x87: {  	_ =	swait.ge [sflag:s21], $0x1C00  }
0x88: {  	[sflag:s21] =	ssyncset.done $0x0  }
0x89: {  	s30 =	sadd.s32 $0x2A00, s19;
	[sflag:s21] =	ssyncadd.s32 $0xFFFFE400  }
0x8a: {  	[spmem:s2] =	stream.indirect.scatter.add.f32 [tilespmem:s17], [sflag:$0x5], $0x40, s30, s16, $0xb8;
	[tilespmem:$0x1FC80] =	vst v63  }
0x8b: {  	_ =	swait.ge [sflag:s25], $0x1C00  }
0x8c: {  	[sflag:s25] =	ssyncset.done $0x0  }
0x8d: {  	s30 =	simm.s32 $0x27D0;
	[sflag:s25] =	ssyncadd.s32 $0xFFFFE400  }
0x8e: {  	[tilespmem:s23], [sflag:$0x4] =	stream.indirect.gather [spmem:s3], $0x40, s30, s16, $0xb8;
	[tilespmem:$0x1FC80] =	vst v63  }
0x8f: {  	_ =	swait.ge [sflag:s24], $0x1C00  }
0x90: {  	[sflag:s24] =	ssyncset.done $0x0  }
0x91: {  	s30 =	sadd.s32 $0x2A70, s19;
	[sflag:s24] =	ssyncadd.s32 $0xFFFFE400  }
0x92: {  	[spmem:s2] =	stream.indirect.scatter.add.f32 [tilespmem:s18], [sflag:$0x6], $0x40, s30, s16, $0xb8;
	[tilespmem:$0x1FC80] =	vst v63  }
0x93: {  	_ =	swait.ge [sflag:s26], $0x1C00  }
0x94: {  	[sflag:s26] =	ssyncset.done $0x0  }
0x95: {  	[sflag:s26] =	ssyncadd.s32 $0xFFFFE400  }
0x96: {  	_ =	swait.ge [sflag:s29], $0x1C00  }
0x97: {  	[sflag:s29] =	ssyncset.done $0x0  }
0x98: {  	s19 =	sadd.s32 $0x2AE0, s19;
	[sflag:s29] =	ssyncadd.s32 $0xFFFFE400  }
0x99: {  	[spmem:s2] =	stream.indirect.scatter.add.f32 [tilespmem:s20], [sflag:$0x7], $0x40, s19, s16, $0xb8;
	[tilespmem:$0x1FC80] =	vst v63  }
0x9a: {  	_ =	swait.ge [sflag:s31], $0x1C00  }
0x9b: {  	[sflag:s31] =	ssyncset.done $0x0  }
0x9c: {  	[sflag:s31] =	ssyncadd.s32 $0xFFFFE400  }
0x9d: {  	_ =	swait.ge [sflag:s0], $0x1C00  }
0x9e: {  	[sflag:s0] =	ssyncset.done $0x0  }
0x9f: {  	s30 =	simm.s32 $0x5010;
	[sflag:s0] =	ssyncadd.s32 $0xFFFFE400  }
0xa0: {  	[spmem:s2] =	stream.indirect.scatter.add.f32 [tilespmem:s23], [sflag:$0x8], $0x40, s30, s16, $0xb8;
	[tilespmem:$0x1FC80] =	vst v63  }
0xa1: {  	_ =	swait.ge [sflag:s22], $0x1C00  }
0xa2: {  	[sflag:s22] =	ssyncset.done $0x0  }
0xa3: {  	[sflag:s22] =	ssyncadd.s32 $0xFFFFE400  }
0xa4: {  	_ =	swait.ge [sflag:s25], $0x1C00  }
0xa5: {  	s1 =	sadd.s32 $0x1, s1;
	[sflag:s25] =	ssyncset.done $0x0  }
0xa6: {  	p0 =	sne.s32 s1, s11;
	[sflag:s25] =	ssyncadd.s32 $0xFFFFE400  }
.Ltmp1:
0xa7: {  	[bflag:$0x0] =	sbarrier.arrive $0xFFFF;
	(pc) =	sbr.rel @p0 .LBB2_1-.Ltmp1, $4  }
0xa8: {  	[hbm:s10], [sflag:s6] =	dma.local [spmem:s12], $0x13C0  }
0xa9: {  	_ =	swait.ge [sflag:s13], $0x13C0  }
0xaa: {  	[sflag:s13] =	ssyncset.done $0x0  }
0xab: {  	[sflag:s13] =	ssyncadd.s32 $0xFFFFEC40  }
0xac: {  	_ =	sfence.sel $0x180000  }
0xad: {  	[bflag:$0x0] =	sbarrier.arrive $0xFFFF  }
0xae: {  	_ =	strace $0x9000004D  }
0xaf: {  	s0 =	stileid.u32;
	[bflag:$0x2] =	sbarrier.arrive $0xFFFF  }
0xb0: {  	p0 =	sne.s32 s0, $0x0;
	s0 =	rddreg [dreg:$0x4]  }
0xb1: {  	s0 =	sadd.s32 @!p0 $0x100000, s0  }
0xb2: {  	[sflag:s0] =	ssyncadd.tile.s32 @!p0 $0x1;
	_ =	shalt  }
.Lfunc_end2:
_tile_overlayer_lowered:
.L_overlay_start_2:
0xb3: {  	(tag) =	ssettag $0x2  }
0xb4: {  	s0 =	rddreg [dreg:$0x0];
	s2 =	stileid.u32  }
0xb5: {  	s1 =	rddreg [dreg:$0x1];
	p0 =	sne.s32 s2, $0x0  }
0xb6: {  	s3 =	rddreg [dreg:$0x2];
	[bflag:$0x3] =	sbarrier.arrive $0xFFFF;
	s2 =	simm.s32 @!p0 $0x1C09  }
0xb7: {  	[timem:s3], [sflag:s2] =	dma.local @!p0 [hbm:s0], s1  }
0xb8: {  	s0 =	simm.s32 @!p0 $0x9  }
0xb9: {  	_ =	swait.ge @!p0 [sflag:s0], s1  }
0xba: {  	s1 =	ssub.s32 @!p0 $0x0, s1;
	[sflag:s0] =	ssyncset.done @!p0 $0x0  }
0xbb: {  	[sflag:s0] =	ssyncadd.s32 @!p0 s1  }
0xbc: {  	[bflag:$0x3] =	sbarrier.arrive $0xFFFF  }
0xbd: {  	_ =	shalt  }

// kernel: kernel.8.cloned.1.call-start
scs
__scs_entry_jumppad:
0x0: {  	(pc) =	sbr.rel $0x88, $3  }
0x1: {  	(tag) =	ssettag $0x0;
	lr =	simm.s32 $0x1  }
0x2: {  	[smem:$0x3F9E] =	sst lr;
	_ =	strace $0xD0000000  }
0x3: {  	_ = 	snop  }
0x4: {  	_ = 	snop  }
0x5: {  	_ = 	snop  }
0x6: {  	_ = 	snop  }
0x7: {  	_ = 	snop  }
__scs_overlays_trampoline_lowered:
0x8: {  	[smem:$0x3FAD] =	sst s0  }
0x9: {  	[smem:$0x3FAE] =	sst s1  }
0xa: {  	[smem:$0x3FAF] =	sst s2  }
0xb: {  	[smem:$0x3FB0] =	sst s3  }
0xc: {  	[smem:$0x3FB1] =	sst s4  }
0xd: {  	[smem:$0x3FB2] =	sst s5  }
0xe: {  	[smem:$0x3FB3] =	sst s6  }
0xf: {  	[smem:$0x3FB4] =	sst s7  }
0x10: {  	[smem:$0x3FB5] =	sst s8  }
0x11: {  	[smem:$0x3FB6] =	sst s9;
	s0 =	simm.s32 @!p0 $0x0  }
0x12: {  	s1 =	sld [smem:$0x3F9C];
	s0 =	simm.s32 @p0 $0x1  }
0x13: {  	[smem:$0x3FB7] =	sst s0;
	s0 =	simm.s32 @!p1 $0x0  }
0x14: {  	s2 =	sld [smem:$0x3F9B];
	s0 =	simm.s32 @p1 $0x1  }
0x15: {  	[smem:$0x3FB8] =	sst s0;
	s0 =	simm.s32 @!p2 $0x0  }
0x16: {  	s3 =	sld [smem:$0x3FDB];
	s0 =	simm.s32 @p2 $0x1  }
0x17: {  	s4 =	simm.s32 $0x1BF5;
	[smem:$0x3FBA] =	sst s0  }
0x18: {  	s0 =	sld [smem:$0x3F9D];
	_ =	swait.ge [sflag:s4], $0x0  }
0x19: {  	s7 =	sld [smem:$0x3F9E]  }
0x1a: {  	s8 =	sadd.s32 $0xFFFFE003, lr  }
0x1b: {  	s9 =	sadd.s32 $0xFFFFFEF7, lr;
	s5 =	simm.s32 $0xFFFFFFFF;
	p2 =	slt.u32 s8, $0xFFFFF086  }
0x1c: {  	p1 =	slt.u32 s9, $0xF7A;
	s5 =	simm.s32 @!p2 $0x0  }
0x1d: {  	s5 =	simm.s32 @p1 $0x1;
	p0 =	seq.s32 s7, s2  }
0x1e: {  	s7 =	smul.u32 @!p0 $0xF7A, s2;
	p2 =	seq.s32 @!p0 s5, $0x0  }
0x1f: {  	s9 =	smul.u32 $0xF7A, s1;
	s8 =	simm.s32 @!p0 $0x1BF5;
	p2 =	por !p2, p0  }
0x20: {  	[sflag:s8] =	ssyncset.s32 @!p0 $0xFFFFF086;
	s6 =	sadd.s32 @!p0 s3, s7;
	s7 =	simm.s32 @!p0 $0x108  }
0x21: {  	s3 =	sadd.s32 s3, s9;
	s6 =	sadd.s32 @!p0 $0x88, s6;
	s7 =	simm.s32 @p2 $0x1082  }
0x22: {  	[simem:s7], [sflag:s8] =	dma.local @!p0 [hbm:s6], $0xF7A  }
0x23: {  	s9 =	sor.u32 $0xD0000000, s2;
	s6 =	simm.s32 $0x108;
	_ =	swait.ge @!p0 [sflag:s8], $0x0  }
0x24: {  	s3 =	sadd.s32 $0x88, s3;
	s6 =	simm.s32 @!p1 $0x1082;
	[sflag:s4] =	ssyncset.s32 $0xFFFFF086  }
0x25: {  	[simem:s6], [sflag:s4] =	dma.local [hbm:s3], $0xF7A  }
0x26: {  	[smem:$0x3F9E] =	sst s1;
	(tag) =	ssettag s2;
	_ =	strace s9  }
0x27: {  	s1 =	sld [smem:$0x3FAE]  }
0x28: {  	s2 =	sld [smem:$0x3FAF]  }
0x29: {  	s4 =	sld [smem:$0x3FB1]  }
0x2a: {  	p0 =	seq.s32 s5, $0x0;
	s5 =	sld [smem:$0x3FB2]  }
0x2b: {  	s6 =	sld [smem:$0x3FB3]  }
0x2c: {  	s7 =	sld [smem:$0x3FB4]  }
0x2d: {  	s3 =	simm.s32 $0x108;
	s8 =	sld [smem:$0x3FB5]  }
0x2e: {  	s3 =	simm.s32 @!p0 $0x1082;
	s9 =	sld [smem:$0x3FB6]  }
0x2f: {  	lr =	sadd.s32 s0, s3;
	s0 =	sld [smem:$0x3FAD]  }
0x30: {  	s3 =	sld [smem:$0x3FB0]  }
0x31: {  	[smem:$0x3FB9] =	sst s10  }
0x32: {  	s10 =	sld [smem:$0x3FB7];
	_ =	sdelay $0x3  }
0x33: {  	p0 =	seq.s32 s10, $0x1;
	s10 =	sld [smem:$0x3FB9];
	_ =	sdelay $0x3  }
0x34: {  	[smem:$0x3FB9] =	sst s10  }
0x35: {  	s10 =	sld [smem:$0x3FB8];
	_ =	sdelay $0x3  }
0x36: {  	p1 =	seq.s32 s10, $0x1;
	s10 =	sld [smem:$0x3FB9];
	_ =	sdelay $0x3  }
0x37: {  	[smem:$0x3FB9] =	sst s10  }
0x38: {  	s10 =	sld [smem:$0x3FBA]  }
0x39: {  	_ = 	snop;
	(pc) =	sbr.ind lr, $3  }
0x3a: {  	_ = 	snop  }
0x3b: {  	_ = 	snop  }
0x3c: {  	p2 =	seq.s32 s10, $0x1;
	s10 =	sld [smem:$0x3FB9]  }
0x3d: {  	_ =	shalt  }
0x3e: {  	_ =	shalt  }
0x3f: {  	_ =	shalt  }
0x40: {  	_ =	shalt  }
0x41: {  	_ =	shalt  }
0x42: {  	_ =	shalt  }
0x43: {  	_ =	shalt  }
0x44: {  	_ =	shalt  }
0x45: {  	_ =	shalt  }
0x46: {  	_ =	shalt  }
0x47: {  	_ =	shalt  }
0x48: {  	_ =	shalt  }
0x49: {  	_ =	shalt  }
0x4a: {  	_ =	shalt  }
0x4b: {  	_ =	shalt  }
0x4c: {  	_ =	shalt  }
0x4d: {  	_ =	shalt  }
0x4e: {  	_ =	shalt  }
0x4f: {  	_ =	shalt  }
0x50: {  	_ =	shalt  }
0x51: {  	_ =	shalt  }
0x52: {  	_ =	shalt  }
0x53: {  	_ =	shalt  }
0x54: {  	_ =	shalt  }
0x55: {  	_ =	shalt  }
0x56: {  	_ =	shalt  }
0x57: {  	_ =	shalt  }
0x58: {  	_ =	shalt  }
0x59: {  	_ =	shalt  }
0x5a: {  	_ =	shalt  }
0x5b: {  	_ =	shalt  }
0x5c: {  	_ =	shalt  }
0x5d: {  	_ =	shalt  }
0x5e: {  	_ =	shalt  }
0x5f: {  	_ =	shalt  }
0x60: {  	_ =	shalt  }
0x61: {  	_ =	shalt  }
0x62: {  	_ =	shalt  }
0x63: {  	_ =	shalt  }
0x64: {  	_ =	shalt  }
0x65: {  	_ =	shalt  }
0x66: {  	_ =	shalt  }
0x67: {  	_ =	shalt  }
0x68: {  	_ =	shalt  }
0x69: {  	_ =	shalt  }
0x6a: {  	_ =	shalt  }
0x6b: {  	_ =	shalt  }
0x6c: {  	_ =	shalt  }
0x6d: {  	_ =	shalt  }
0x6e: {  	_ =	shalt  }
0x6f: {  	_ =	shalt  }
0x70: {  	_ =	shalt  }
0x71: {  	_ =	shalt  }
0x72: {  	_ =	shalt  }
0x73: {  	_ =	shalt  }
0x74: {  	_ =	shalt  }
0x75: {  	_ =	shalt  }
0x76: {  	_ =	shalt  }
0x77: {  	_ =	shalt  }
0x78: {  	_ =	shalt  }
0x79: {  	_ =	shalt  }
0x7a: {  	_ =	shalt  }
0x7b: {  	_ =	shalt  }
0x7c: {  	_ =	shalt  }
0x7d: {  	_ =	shalt  }
0x7e: {  	_ =	shalt  }
0x7f: {  	_ =	shalt  }
0x80: {  	_ =	shalt  }
0x81: {  	_ =	shalt  }
0x82: {  	_ =	shalt  }
0x83: {  	_ =	shalt  }
0x84: {  	_ =	shalt  }
0x85: {  	_ =	shalt  }
0x86: {  	_ =	shalt  }
0x87: {  	_ =	shalt  }
.Lfunc_end0:
.L_simem_size_0:
called_computation_lowered:
.L_overlay_start_0:
0x88: {  	s2 =	sld [smem:$0x3FD9]  }
0x89: {  	s3 =	sld [smem:$0x3FFE];
	_ =	sdelay $0x1  }
0x8a: {  	s1 =	srdreg.scid  }
0x8b: {  	s0 =	sand.u32 $0x1, s1  }
0x8c: {  	s17 =	sshll.u32 s0, $0xA;
	s2 =	sadd.s32 s3, s2  }
0x8d: {  	s2 =	sadd.s32 s2, s17  }
0x8e: {  	[smem:$0x3FC5] =	sst s2  }
0x8f: {  	_ = 	snop  }
0x90: {  	s2 =	sld [smem:$0x3FD0];
	(tm) =	ssettm $0x1  }
0x91: {  	s18 =	sld [smem:$0x3FFB];
	_ =	sdelay $0x3  }
0x92: {  	_ =	strace s18  }
0x93: {  	s3 =	sld [smem:$0x3FFC];
	_ =	sdelay $0x3  }
0x94: {  	_ =	strace s3  }
0x95: {  	s3 =	sld [smem:$0x3FFD];
	_ =	sdelay $0x3  }
0x96: {  	_ =	strace s3  }
0x97: {  	_ =	strace $0x8FFFFFFF  }
0x98: {  	s19 =	sld [smem:$0x3FDB];
	_ =	sdelay $0x1  }
0x99: {  	s4 =	simm.s32 $_scs_section_size  }
0x9a: {  	s5 =	simm.s32 $_size__tile_overlayer_lowered;
	s6 =	simm.s32 $_tile_overlayer_lowered  }
0x9b: {  	s22 =	simm.s32 $0x1BFF;
	s21 =	sshll.u32 s6, $0x1;
	s3 =	sadd.s32 s4, s19  }
0x9c: {  	s7 =	simm.s32 $0x0;
	s20 =	sshll.u32 s5, $0x1;
	s5 =	sadd.s32 s21, s3  }
0x9d: {  	[timem:s7], [sflag:s22] =	dma.local [hbm:s5], s20  }
0x9e: {  	_ =	swait.ge [sflag:s22], s20  }
0x9f: {  	s4 =	ssub.s32 $0x0, s20;
	[sflag:s22] =	ssyncset.done $0x0  }
0xa0: {  	[sflag:s22] =	ssyncadd.s32 s4;
	_ =	sdelay $0x1  }
0xa1: {  	s23 =	simm.s32 $0x1B8B  }
0xa2: {  	_ =	swait.ge [sflag:s23], $0x1  }
0xa3: {  	[sflag:s23] =	ssyncset.done $0x0  }
0xa4: {  	s25 =	simm.s32 $0x1B8E;
	s24 =	sld [smem:$0x3FFE];
	[sflag:s23] =	ssyncadd.s32 $0xFFFFFFFF  }
0xa5: {  	s26 =	simm.s32 $execute0_lowered;
	[smem:$0x3FD2] =	sst s25  }
0xa6: {  	s5 =	sshll.u32 s26, $0x1;
	_ =	strace $0x80000046;
	[dreg:$0x1] =	wrdreg $0xFFFFFFFF  }
0xa7: {  	s28 =	simm.s32 $_size_execute0_lowered;
	s3 =	sadd.s32 s3, s5;
	[dreg:$0x0] =	wrdreg $0x0  }
0xa8: {  	s5 =	sshll.u32 s28, $0x1;
	[dreg:$0x2] =	wrdreg s3  }
0xa9: {  	[dreg:$0x3] =	wrdreg s5  }
0xaa: {  	[dreg:$0x4] =	wrdreg $0xC0  }
0xab: {  	_ =	task [dreg:s7], $0x5FFFF  }
0xac: {  	[dreg:$0x1] =	wrdreg $0xFFFFFFFF  }
0xad: {  	[dreg:$0x0] =	wrdreg $0x60  }
0xae: {  	[dreg:$0x2] =	wrdreg s24  }
0xaf: {  	[dreg:$0x3] =	wrdreg s2  }
0xb0: {  	[dreg:$0x4] =	wrdreg $0x9  }
0xb1: {  	_ =	task.clear_ibuf [dreg:s7], $0x5FFFF;
	_ =	strace $0x90000046  }
0xb2: {  	s29 =	simm.s32 $0x9;
	_ =	strace $0x80000048  }
0xb3: {  	_ =	swait.ge [sflag:s29], $0x1  }
0xb4: {  	[sflag:s29] =	ssyncadd.s32 $0xFFFFFFFF  }
0xb5: {  	_ =	strace $0x90000048  }
0xb6: {  	_ =	sfence  }
0xb7: {  	s30 =	sld [smem:$0x0];
	_ =	sdelay $0x2  }
0xb8: {  	s31 =	sshll.u32 s1, $0xD;
	s1 =	sshrl.u32 s1, $0x2  }
0xb9: {  	s3 =	sand.u32 $0x4000, s31;
	s1 =	sadd.s32 s1, s30  }
0xba: {  	s0 =	sor.u32 s3, s0;
	s1 =	sshll.u32 s1, $0x11  }
0xbb: {  	s0 =	sor.u32 s1, s0  }
0xbc: {  	s0 =	sadd.s32 $0x8F2B, s0  }
0xbd: {  	[sflag:s0] =	ssyncadd.remote.s32 $0x1  }
0xbe: {  	_ =	sfence.sel $0xFFFF  }
0xbf: {  	[dreg:$0x0] =	wrdreg $0xFFFFFFFF;
	(pc) =	sbr.abs _section_cstart, $3  }
0xc0: {  	[dreg:$0x1] =	wrdreg $0xFFFFFFFF  }
0xc1: {  	_ =	task.clear_ibuf [dreg:s7], $0x2FFFF;
	_ =	strace $0x9FFFFFFF  }
0xc2: {  	(tm) =	ssettm $0x7FFFFFFF  }
0xc3: {  	_ =	shalt  }
tec
execute0_lowered:
.L_overlay_start_1:
0x0: {  	(tag) =	ssettag $0x1  }
0x1: {  	s0 =	srdreg.scid  }
0x2: {  	s3 =	rddreg [dreg:$0x0];
	s4 =	sand.u32 $0x1, s0  }
0x3: {  	s5 =	rddreg [dreg:$0x1];
	s1 =	stileid.u32;
	s2 =	sshll.u32 s4, $0x4  }
0x4: {  	s0 =	rddreg [dreg:$0x2];
	s6 =	sor.u32 s1, s2  }
0x5: {  	s4 =	ssub.s32 $0x2, s4;
	s2 =	simm.s32 $0x0;
	s7 =	smul.u32 $0x508, s6  }
0x6: {  	s8 =	sshrl.u32 s4, $0x1;
	[smem:$0x7FF] =	sst s2;
	s6 =	smul.u32 $0x4F0, s6  }
0x7: {  	s31 =	ssub.s32 s4, s8;
	s8 =	simm.s32 $0x0;
	_ =	strace $0x80000047  }
0x8: {  	s3 =	sadd.s32 s7, s3;
	s4 =	sadd.s32 s5, s6;
	s5 =	smax.u32 s31, $0x1  }
0x9: {  	v0 =	vimm.f32 $0.0e+00;
	v1 =	vimm.f32 $1.000000000e+00;
	s6 =	simm.s32 $0x1;
	s7 =	simm.s32 $0x2840;
	s3 =	sadd.s32 $0x1000, s3  }
.LBB2_1:
0xa: {  	[tilespmem:s2], [sflag:$0x1] =	stream.linear.gather [hbm4b:s3+s2], $0x2840, $0x38;
	[tilespmem:$0x4FC0] =	vst v63  }
0xb: {  	_ =	swait.ge [sflag:s6], $0x2840  }
0xc: {  	[sflag:s6] =	ssyncset.done $0x0  }
0xd: {  	s11 =	simm.s32 $0x2860;
	[sflag:s6] =	ssyncadd.s32 $0xFFFFD7C0  }
0xe: {  	[tilespmem:s11+$0xFFFFFFE0] =	vst v0  }
0xf: {  	[tilespmem:s11+$0x10] =	vst v0  }
0x10: {  	s9 =	simm.s32 $0xFFFFFFFC;
	s12 =	simm.s32 $0x0;
	[tilespmem:s11+$0x0] =	vst v0  }
.LBB2_2:
0x11: {  	s12 =	sadd.s32 $0x4, s12  }
0x12: {  	[tilespmem:s11+$0xFFFFFFF0] =	vst v0;
	s11 =	sadd.s32 $0x40, s11;
	s10 =	simm.s32 $0x20;
	p0 =	slt.u32 s12, $0x274  }
.Ltmp0:
0x13: {  	[tilespmem:s11+$0xFFFFFFE0] =	vst v0;
	(pc) =	sbr.rel @p0 .LBB2_2-.Ltmp0, $3  }
0x14: {  	_ =	sdelay $0x1  }
0x15: {  	[tilespmem:s11+$0x10] =	vst v0  }
0x16: {  	[tilespmem:s11+$0x0] =	vst v0  }
0x17: {  	[tilespmem:s11+$0xFFFFFFF0] =	vst v0  }
.LBB2_4:
0x18: {  	v2 =	vld [tilespmem:s10+$0xFFFFFFE0];
	_ =	sdelay $0x7  }
0x19: {  	[tilespmem:v2+s7+$0x0] =	vst.idx.add.f32.msk $0xffff, v1  }
0x1a: {  	v2 =	vld [tilespmem:s10+$0xFFFFFFF0];
	_ =	sdelay $0x7  }
0x1b: {  	[tilespmem:v2+s7+$0x0] =	vst.idx.add.f32.msk $0xffff, v1  }
0x1c: {  	v2 =	vld [tilespmem:s10+$0x0];
	_ =	sdelay $0x7  }
0x1d: {  	[tilespmem:v2+s7+$0x0] =	vst.idx.add.f32.msk $0xffff, v1  }
0x1e: {  	v2 =	vld [tilespmem:s10+$0x10];
	_ =	sdelay $0x1  }
0x1f: {  	s9 =	sadd.s32 $0x4, s9  }
0x20: {  	p0 =	slt.u32 s9, $0x280  }
.Ltmp1:
0x21: {  	_ = 	snop;
	(pc) =	sbr.rel @p0 .LBB2_4-.Ltmp1, $2  }
0x22: {  	_ =	sdelay $0x2  }
0x23: {  	s10 =	sadd.s32 $0x40, s10;
	[tilespmem:v2+s7+$0x0] =	vst.idx.add.f32.msk $0xffff, v1  }
0x24: {  	s8 =	sadd.s32 $0x1, s8  }
0x25: {  	p0 =	sne.s32 s8, s5  }
.Ltmp2:
0x26: {  	_ = 	snop;
	(pc) =	sbr.rel @p0 .LBB2_1-.Ltmp2, $4  }
0x27: {  	[hbm4b:s4+s2] =	stream.linear.scatter [tilespmem:s7], [sflag:$0x1], $0x2780, $0x38;
	[tilespmem:$0x4FC0] =	vst v63  }
0x28: {  	_ =	swait.ge [sflag:s6], $0x2780  }
0x29: {  	[sflag:s6] =	ssyncset.done $0x0  }
0x2a: {  	[sflag:s6] =	ssyncadd.s32 $0xFFFFD880  }
0x2b: {  	_ =	sfence.sel $0x180000  }
0x2c: {  	[bflag:$0x0] =	sbarrier.arrive $0xFFFF  }
0x2d: {  	p0 =	sne.s32 s1, $0x0;
	_ =	strace $0x90000047  }
0x2e: {  	s0 =	sadd.s32 @!p0 $0x100000, s0;
	[bflag:$0x2] =	sbarrier.arrive $0xFFFF  }
0x2f: {  	[sflag:s0] =	ssyncadd.tile.s32 @!p0 $0x1;
	_ =	shalt  }
.Lfunc_end2:
_tile_overlayer_lowered:
.L_overlay_start_2:
0x30: {  	(tag) =	ssettag $0x2  }
0x31: {  	s0 =	rddreg [dreg:$0x0];
	s2 =	stileid.u32  }
0x32: {  	s1 =	rddreg [dreg:$0x1];
	p0 =	sne.s32 s2, $0x0  }
0x33: {  	s3 =	rddreg [dreg:$0x2];
	[bflag:$0x3] =	sbarrier.arrive $0xFFFF;
	s2 =	simm.s32 @!p0 $0x1C01  }
0x34: {  	[timem:s3], [sflag:s2] =	dma.local @!p0 [hbm:s0], s1  }
0x35: {  	s0 =	simm.s32 @!p0 $0x1  }
0x36: {  	_ =	swait.ge @!p0 [sflag:s0], s1  }
0x37: {  	s1 =	ssub.s32 @!p0 $0x0, s1;
	[sflag:s0] =	ssyncset.done @!p0 $0x0  }
0x38: {  	[sflag:s0] =	ssyncadd.s32 @!p0 s1  }
0x39: {  	[bflag:$0x3] =	sbarrier.arrive $0xFFFF  }
0x3a: {  	_ =	shalt  }

</sc_bundles>
